<compile_context>
chip_gen: v7x
topology: tpu7x:2x2x1
jax: 0.10.2.dev20260603
libtpu: 0.0.44.dev20260713+nightly
codegen_flags: <defaults>
</compile_context>

<pallas_src>
import functools

import jax
import jax.numpy as jnp
from jax import lax
from jax.experimental import pallas as pl
from jax.experimental.pallas import tpu as pltpu
from jax.experimental.pallas import tpu_sc as plsc

_NOISE_STD = 0.05
_B, _D = 16384, 64
_NC, _NS, _L = 2, 16, 16
_NW = _NC * _NS
_ROWS = _B // _NW
_T = 1001
_TR = _D // 8
_TC = _B // 128
_WTC = _TC // _NW
_SEG = _WTC * 1024
_TROW = 128 * 1024

_mesh = plsc.VectorSubcoreMesh(core_axis_name="c", subcore_axis_name="s")


@functools.partial(
    pl.kernel,
    mesh=_mesh,
    out_type=(
        jax.ShapeDtypeStruct((_B * _D,), jnp.float32),
        jax.ShapeDtypeStruct((_B,), jnp.int32),
    ),
    compiler_params=pltpu.CompilerParams(needs_layout_passes=False,
                                         use_tc_tiling_on_sc=False),
    scratch_types=[
        pltpu.VMEM((_ROWS,), jnp.int32),
        pltpu.VMEM((_T,), jnp.float32),
        pltpu.VMEM((_T,), jnp.float32),
        pltpu.VMEM((_ROWS,), jnp.float32),
        pltpu.VMEM((_ROWS,), jnp.float32),
        pltpu.VMEM((2, _SEG), jnp.float32),
        pltpu.VMEM((2, _SEG), jnp.float32),
        pltpu.VMEM((2, _SEG), jnp.float32),
        pltpu.SemaphoreType.DMA,
        pltpu.SemaphoreType.DMA,
        pltpu.SemaphoreType.DMA,
        pltpu.SemaphoreType.DMA,
        pltpu.SemaphoreType.DMA,
        pltpu.SemaphoreType.DMA,
        pltpu.SemaphoreType.DMA,
    ],
)
def _q_sample_sc(x0_hbm, a_hbm, b_hbm, t_hbm, nz_hbm, out_hbm, tout_hbm,
                 t_v, a_v, b_v, at_v, ct_v, x0_v, nz_v, o_v,
                 sx0, sx1, snz0, snz1, so0, so1, ssm):
    wid = lax.axis_index("s") * _NC + lax.axis_index("c")
    base = wid * _ROWS
    sx = (sx0, sx1)
    snz = (snz0, snz1)
    so = (so0, so1)

    def start_in(k, p):
        off = k * _TROW + wid * _SEG
        pltpu.make_async_copy(x0_hbm.at[pl.ds(off, _SEG)], x0_v.at[p],
                              sx[p]).start()
        pltpu.make_async_copy(nz_hbm.at[pl.ds(off, _SEG)], nz_v.at[p],
                              snz[p]).start()

    def wait_in(p):
        pltpu.make_async_copy(x0_hbm.at[pl.ds(0, _SEG)], x0_v.at[p],
                              sx[p]).wait()
        pltpu.make_async_copy(nz_hbm.at[pl.ds(0, _SEG)], nz_v.at[p],
                              snz[p]).wait()

    def start_out(k, p):
        off = k * _TROW + wid * _SEG
        pltpu.make_async_copy(o_v.at[p], out_hbm.at[pl.ds(off, _SEG)],
                              so[p]).start()

    def wait_out(p):
        pltpu.make_async_copy(o_v.at[p], out_hbm.at[pl.ds(0, _SEG)],
                              so[p]).wait()

    start_in(0, 0)
    start_in(1, 1)

    ct = pltpu.make_async_copy(t_hbm.at[pl.ds(base, _ROWS)], t_v, ssm)
    ca = pltpu.make_async_copy(a_hbm, a_v, ssm)
    cb = pltpu.make_async_copy(b_hbm, b_v, ssm)
    for c in (ct, ca, cb):
        c.start()
    for c in (ct, ca, cb):
        c.wait()

    std = jnp.float32(_NOISE_STD)

    def gather_body(g, _):
        sl = pl.ds(g * _L, _L)
        idx = t_v[sl]
        at_v[sl] = plsc.load_gather(a_v, [idx])
        ct_v[sl] = plsc.load_gather(b_v, [idx]) * std
        return _

    lax.fori_loop(0, _ROWS // _L, gather_body, None, unroll=2)

    ctout = pltpu.make_async_copy(t_v, tout_hbm.at[pl.ds(base, _ROWS)], ssm)
    ctout.start()

    def compute_block(p, blk, _):
        csl = pl.ds(blk * _L, _L)
        av = at_v[csl]
        cv = ct_v[csl]
        tile, lane0 = blk // 8, (blk % 8) * _L
        for sub in range(8):
            dsl = pl.ds(tile * 1024 + sub * 128 + lane0, _L)
            o_v[p, dsl] = av * x0_v[p, dsl] + cv * nz_v[p, dsl]
        return _

    def pair_body(i, _):
        for p in (0, 1):
            k = 2 * i + p
            wait_in(p)
            pl.when(i > 0)(lambda: wait_out(p))

            @plsc.parallel_loop(0, _SEG // 128, unroll=2)
            def _(blk, _p=p):
                compute_block(_p, blk, None)
            start_out(k, p)
            pl.when(i < _TR // 2 - 1)(lambda: start_in(k + 2, p))
        return _

    lax.fori_loop(0, _TR // 2, pair_body, None)
    ctout.wait()
    wait_out(0)
    wait_out(1)


def _phys_view(x):
    return x.T.reshape(_D // 8, 8, _B // 128, 128).transpose(0, 2, 1, 3).reshape(-1)


def kernel(x_0, alphas_bar_sqrt, one_minus_alphas_bar_sqrt, t, noise):
    t32 = t.astype(jnp.int32)
    x_t_flat, t_out = _q_sample_sc(
        _phys_view(x_0), alphas_bar_sqrt, one_minus_alphas_bar_sqrt,
        t32, _phys_view(noise))
    x_t = (x_t_flat.reshape(_D // 8, _B // 128, 8, 128)
           .transpose(0, 2, 1, 3).reshape(_D, _B).T)
    return (x_t, t_out.reshape(_B, 1))

# --- scband reference (transcript-rebuilt; emitter-appended) ---
"""Pipeline reference for scband-diffusion-35175782154461 (READ-ONLY COPY).

The authoritative reference and input builder live on the scoring server;
editing this copy changes nothing except your own understanding.
"""

import jax, jax.numpy as jnp
import numpy as np

BETA_START = 0.0001
BETA_END = 0.02
T_MAX = 1000
NOISE_STD = 0.05


def setup_inputs(seed: int = 0) -> dict:
    key = jax.random.key(seed)
    k1, k2, k3 = jax.random.split(key, 3)
    B, D = 16384, 64
    x_0 = jax.random.normal(k1, (B, D), dtype=jnp.float32)
    # diffusion schedule tables (linear beta schedule), computed in float64 like the torch module
    betas = np.linspace(BETA_START, BETA_END, T_MAX, dtype=np.float64)
    alphas = 1.0 - betas
    alphas_cumprod = np.concatenate([np.array([1.0], dtype=np.float64), np.cumprod(alphas)])
    alphas_bar_sqrt = jnp.asarray(np.sqrt(alphas_cumprod), dtype=jnp.float32)
    one_minus_alphas_bar_sqrt = jnp.asarray(np.sqrt(1.0 - alphas_cumprod), dtype=jnp.float32)
    # the torch forward samples t ~ Uniform{0,...,num_timesteps-1} and noise ~ N(0,1) internally;
    # we materialize them here so the reference is deterministic
    t = jax.random.randint(k2, (B,), 0, T_MAX)
    noise = jax.random.normal(k3, (B, D), dtype=jnp.float32)
    return {
        "x_0": x_0,
        "alphas_bar_sqrt": alphas_bar_sqrt,
        "one_minus_alphas_bar_sqrt": one_minus_alphas_bar_sqrt,
        "t": t,
        "noise": noise,
    }


def reference(x_0, alphas_bar_sqrt, one_minus_alphas_bar_sqrt, t, noise):
    # q_sample: gather per-example schedule coefficients and mix signal with noise
    scaled_noise = noise * NOISE_STD
    alphas_t_sqrt = jnp.take(alphas_bar_sqrt, t, axis=0).reshape(-1, 1)
    one_minus_alphas_bar_t_sqrt = jnp.take(one_minus_alphas_bar_sqrt, t, axis=0).reshape(-1, 1)
    x_t = alphas_t_sqrt * x_0 + one_minus_alphas_bar_t_sqrt * scaled_noise
    return (x_t, t.reshape(-1, 1))

if __name__ == "__main__":
    import jax
    _d = setup_inputs()
    print(jax.jit(kernel)(*tuple(_d.values())))

</pallas_src>

<mosaic_0001>
#map = affine_map<(d0, d1) -> (0)>
module attributes {stable_mosaic.version = 14 : i64} {
  func.func @_q_sample_sc(%arg0: i32, %arg1: i32, %arg2: memref<1048576xf32, #tpu.memory_space<hbm>>, %arg3: memref<1001xf32, #tpu.memory_space<hbm>>, %arg4: memref<1001xf32, #tpu.memory_space<hbm>>, %arg5: memref<16384xi32, #tpu.memory_space<hbm>>, %arg6: memref<1048576xf32, #tpu.memory_space<hbm>>, %arg7: memref<1048576xf32, #tpu.memory_space<hbm>>, %arg8: memref<16384xi32, #tpu.memory_space<hbm>>, %arg9: memref<512xi32, #tpu.memory_space<vmem>>, %arg10: memref<1001xf32, #tpu.memory_space<vmem>>, %arg11: memref<1001xf32, #tpu.memory_space<vmem>>, %arg12: memref<512xf32, #tpu.memory_space<vmem>>, %arg13: memref<512xf32, #tpu.memory_space<vmem>>, %arg14: memref<2x4096xf32, #tpu.memory_space<vmem>>, %arg15: memref<2x4096xf32, #tpu.memory_space<vmem>>, %arg16: memref<2x4096xf32, #tpu.memory_space<vmem>>, %arg17: memref<!tpu.dma_semaphore, #tpu.memory_space<semaphore_mem>>, %arg18: memref<!tpu.dma_semaphore, #tpu.memory_space<semaphore_mem>>, %arg19: memref<!tpu.dma_semaphore, #tpu.memory_space<semaphore_mem>>, %arg20: memref<!tpu.dma_semaphore, #tpu.memory_space<semaphore_mem>>, %arg21: memref<!tpu.dma_semaphore, #tpu.memory_space<semaphore_mem>>, %arg22: memref<!tpu.dma_semaphore, #tpu.memory_space<semaphore_mem>>, %arg23: memref<!tpu.dma_semaphore, #tpu.memory_space<semaphore_mem>>) attributes {dimension_semantics = [#tpu.dimension_semantics<core_parallel>, #tpu.dimension_semantics<subcore_parallel>], iteration_bounds = array<i64: 2, 16>, scalar_prefetch = 0 : i64, scratch_operands = 15 : i64, tpu.core_type = #tpu.core_type<sc_vector_subcore>, window_params = [{transform_indices = #map}, {transform_indices = #map}, {transform_indices = #map}, {transform_indices = #map}, {transform_indices = #map}, {transform_indices = #map}, {transform_indices = #map}]} {
    %mul3A = arith.constant 2 : i32
    %mul3A_0 = arith.muli %arg1, %mul3A : i32
    %add3A = arith.addi %mul3A_0, %arg0 : i32
    %mul3A_1 = arith.constant 512 : i32
    %mul3A_2 = arith.muli %add3A, %mul3A_1 : i32
    %mul3A_3 = arith.constant 4096 : i32
    %mul3A_4 = arith.muli %add3A, %mul3A_3 : i32
    %add3A_5 = arith.constant 0 : i32
    %add3A_6 = arith.addi %add3A_5, %mul3A_4 : i32
    %dma_start3A = arith.constant 0 : i32
    %dma_start3A_7 = arith.constant 0 : i32
    %dma_start3A_8 = tpu.memref_slice %arg14[%dma_start3A, %dma_start3A_7] : memref<2x4096xf32, #tpu.memory_space<vmem>> -> memref<1x4096xf32, #tpu.memory_space<vmem>>
    %dma_start3A_9 = tpu.memref_squeeze %dma_start3A_8 : memref<1x4096xf32, #tpu.memory_space<vmem>> -> memref<4096xf32, #tpu.memory_space<vmem>>
    %dma_start3A_10 = tpu.memref_slice %arg2[%add3A_6] : memref<1048576xf32, #tpu.memory_space<hbm>> -> memref<4096xf32, #tpu.memory_space<hbm>>
    %dma_start3A_11 = arith.constant 0 : i32
    %dma_start3A_12 = tpu.memref_slice %arg14[%dma_start3A, %dma_start3A_11] : memref<2x4096xf32, #tpu.memory_space<vmem>> -> memref<1x4096xf32, #tpu.memory_space<vmem>>
    %dma_start3A_13 = tpu.memref_squeeze %dma_start3A_12 : memref<1x4096xf32, #tpu.memory_space<vmem>> -> memref<4096xf32, #tpu.memory_space<vmem>>
    %dma_start3A_14 = tpu.memref_slice %arg2[%add3A_6] : memref<1048576xf32, #tpu.memory_space<hbm>> -> memref<4096xf32, #tpu.memory_space<hbm>>
    tpu.enqueue_dma source(%dma_start3A_14 : memref<4096xf32, #tpu.memory_space<hbm>>) target(%dma_start3A_13 : memref<4096xf32, #tpu.memory_space<vmem>>) target_semaphore(%arg17 : memref<!tpu.dma_semaphore, #tpu.memory_space<semaphore_mem>>)
    %dma_start3A_15 = arith.constant 0 : i32
    %dma_start3A_16 = arith.constant 0 : i32
    %dma_start3A_17 = tpu.memref_slice %arg15[%dma_start3A_15, %dma_start3A_16] : memref<2x4096xf32, #tpu.memory_space<vmem>> -> memref<1x4096xf32, #tpu.memory_space<vmem>>
    %dma_start3A_18 = tpu.memref_squeeze %dma_start3A_17 : memref<1x4096xf32, #tpu.memory_space<vmem>> -> memref<4096xf32, #tpu.memory_space<vmem>>
    %dma_start3A_19 = tpu.memref_slice %arg6[%add3A_6] : memref<1048576xf32, #tpu.memory_space<hbm>> -> memref<4096xf32, #tpu.memory_space<hbm>>
    %dma_start3A_20 = arith.constant 0 : i32
    %dma_start3A_21 = tpu.memref_slice %arg15[%dma_start3A_15, %dma_start3A_20] : memref<2x4096xf32, #tpu.memory_space<vmem>> -> memref<1x4096xf32, #tpu.memory_space<vmem>>
    %dma_start3A_22 = tpu.memref_squeeze %dma_start3A_21 : memref<1x4096xf32, #tpu.memory_space<vmem>> -> memref<4096xf32, #tpu.memory_space<vmem>>
    %dma_start3A_23 = tpu.memref_slice %arg6[%add3A_6] : memref<1048576xf32, #tpu.memory_space<hbm>> -> memref<4096xf32, #tpu.memory_space<hbm>>
    tpu.enqueue_dma source(%dma_start3A_23 : memref<4096xf32, #tpu.memory_space<hbm>>) target(%dma_start3A_22 : memref<4096xf32, #tpu.memory_space<vmem>>) target_semaphore(%arg19 : memref<!tpu.dma_semaphore, #tpu.memory_space<semaphore_mem>>)
    %mul3A_24 = arith.constant 4096 : i32
    %mul3A_25 = arith.muli %add3A, %mul3A_24 : i32
    %add3A_26 = arith.constant 131072 : i32
    %add3A_27 = arith.addi %add3A_26, %mul3A_25 : i32
    %dma_start3A_28 = arith.constant 1 : i32
    %dma_start3A_29 = arith.constant 0 : i32
    %dma_start3A_30 = tpu.memref_slice %arg14[%dma_start3A_28, %dma_start3A_29] : memref<2x4096xf32, #tpu.memory_space<vmem>> -> memref<1x4096xf32, #tpu.memory_space<vmem>>
    %dma_start3A_31 = tpu.memref_squeeze %dma_start3A_30 : memref<1x4096xf32, #tpu.memory_space<vmem>> -> memref<4096xf32, #tpu.memory_space<vmem>>
    %dma_start3A_32 = tpu.memref_slice %arg2[%add3A_27] : memref<1048576xf32, #tpu.memory_space<hbm>> -> memref<4096xf32, #tpu.memory_space<hbm>>
    %dma_start3A_33 = arith.constant 0 : i32
    %dma_start3A_34 = tpu.memref_slice %arg14[%dma_start3A_28, %dma_start3A_33] : memref<2x4096xf32, #tpu.memory_space<vmem>> -> memref<1x4096xf32, #tpu.memory_space<vmem>>
    %dma_start3A_35 = tpu.memref_squeeze %dma_start3A_34 : memref<1x4096xf32, #tpu.memory_space<vmem>> -> memref<4096xf32, #tpu.memory_space<vmem>>
    %dma_start3A_36 = tpu.memref_slice %arg2[%add3A_27] : memref<1048576xf32, #tpu.memory_space<hbm>> -> memref<4096xf32, #tpu.memory_space<hbm>>
    tpu.enqueue_dma source(%dma_start3A_36 : memref<4096xf32, #tpu.memory_space<hbm>>) target(%dma_start3A_35 : memref<4096xf32, #tpu.memory_space<vmem>>) target_semaphore(%arg18 : memref<!tpu.dma_semaphore, #tpu.memory_space<semaphore_mem>>)
    %dma_start3A_37 = arith.constant 1 : i32
    %dma_start3A_38 = arith.constant 0 : i32
    %dma_start3A_39 = tpu.memref_slice %arg15[%dma_start3A_37, %dma_start3A_38] : memref<2x4096xf32, #tpu.memory_space<vmem>> -> memref<1x4096xf32, #tpu.memory_space<vmem>>
    %dma_start3A_40 = tpu.memref_squeeze %dma_start3A_39 : memref<1x4096xf32, #tpu.memory_space<vmem>> -> memref<4096xf32, #tpu.memory_space<vmem>>
    %dma_start3A_41 = tpu.memref_slice %arg6[%add3A_27] : memref<1048576xf32, #tpu.memory_space<hbm>> -> memref<4096xf32, #tpu.memory_space<hbm>>
    %dma_start3A_42 = arith.constant 0 : i32
    %dma_start3A_43 = tpu.memref_slice %arg15[%dma_start3A_37, %dma_start3A_42] : memref<2x4096xf32, #tpu.memory_space<vmem>> -> memref<1x4096xf32, #tpu.memory_space<vmem>>
    %dma_start3A_44 = tpu.memref_squeeze %dma_start3A_43 : memref<1x4096xf32, #tpu.memory_space<vmem>> -> memref<4096xf32, #tpu.memory_space<vmem>>
    %dma_start3A_45 = tpu.memref_slice %arg6[%add3A_27] : memref<1048576xf32, #tpu.memory_space<hbm>> -> memref<4096xf32, #tpu.memory_space<hbm>>
    tpu.enqueue_dma source(%dma_start3A_45 : memref<4096xf32, #tpu.memory_space<hbm>>) target(%dma_start3A_44 : memref<4096xf32, #tpu.memory_space<vmem>>) target_semaphore(%arg20 : memref<!tpu.dma_semaphore, #tpu.memory_space<semaphore_mem>>)
    %dma_start3A_46 = tpu.memref_slice %arg5[%mul3A_2] : memref<16384xi32, #tpu.memory_space<hbm>> -> memref<512xi32, #tpu.memory_space<hbm>>
    %dma_start3A_47 = tpu.memref_slice %arg5[%mul3A_2] : memref<16384xi32, #tpu.memory_space<hbm>> -> memref<512xi32, #tpu.memory_space<hbm>>
    tpu.enqueue_dma source(%dma_start3A_47 : memref<512xi32, #tpu.memory_space<hbm>>) target(%arg9 : memref<512xi32, #tpu.memory_space<vmem>>) target_semaphore(%arg23 : memref<!tpu.dma_semaphore, #tpu.memory_space<semaphore_mem>>)
    tpu.enqueue_dma source(%arg3 : memref<1001xf32, #tpu.memory_space<hbm>>) target(%arg10 : memref<1001xf32, #tpu.memory_space<vmem>>) target_semaphore(%arg23 : memref<!tpu.dma_semaphore, #tpu.memory_space<semaphore_mem>>)
    tpu.enqueue_dma source(%arg4 : memref<1001xf32, #tpu.memory_space<hbm>>) target(%arg11 : memref<1001xf32, #tpu.memory_space<vmem>>) target_semaphore(%arg23 : memref<!tpu.dma_semaphore, #tpu.memory_space<semaphore_mem>>)
    %dma_wait3A = tpu.memref_slice %arg5[%mul3A_2] : memref<16384xi32, #tpu.memory_space<hbm>> -> memref<512xi32, #tpu.memory_space<hbm>>
    %dma_wait3A_48 = tpu.memref_slice %arg5[%mul3A_2] : memref<16384xi32, #tpu.memory_space<hbm>> -> memref<512xi32, #tpu.memory_space<hbm>>
    tpu.wait_dma2 semaphore(%arg23 : memref<!tpu.dma_semaphore, #tpu.memory_space<semaphore_mem>>) src(%dma_wait3A_48 : memref<512xi32, #tpu.memory_space<hbm>>) dst(%arg9 : memref<512xi32, #tpu.memory_space<vmem>>)
    tpu.wait_dma2 semaphore(%arg23 : memref<!tpu.dma_semaphore, #tpu.memory_space<semaphore_mem>>) src(%arg3 : memref<1001xf32, #tpu.memory_space<hbm>>) dst(%arg10 : memref<1001xf32, #tpu.memory_space<vmem>>)
    tpu.wait_dma2 semaphore(%arg23 : memref<!tpu.dma_semaphore, #tpu.memory_space<semaphore_mem>>) src(%arg4 : memref<1001xf32, #tpu.memory_space<hbm>>) dst(%arg11 : memref<1001xf32, #tpu.memory_space<vmem>>)
    %scan3A = arith.constant 5.000000e-02 : f32
    %scan3A_49 = arith.constant 0 : i32
    %scan3A_50 = arith.constant 32 : i32
    %scan3A_51 = arith.addi %scan3A_49, %scan3A_50 : i32
    %scan3A_52 = arith.constant 2 : i32
    scf.for %scan3A_85 = %scan3A_49 to %scan3A_51 step %scan3A_52  : i32 {
      %mul3A_86 = arith.constant 16 : i32
      %mul3A_87 = arith.muli %scan3A_85, %mul3A_86 : i32
      %get3A = arith.index_cast %mul3A_87 : i32 to index
      %get3A_88 = tpu.vector_load %arg9[%get3A] {strides = array<i32>} : memref<512xi32, #tpu.memory_space<vmem>>, vector<16xi32>,
      %gather3A = tpu.vector_load_idx %arg10[%get3A_88] : memref<1001xf32, #tpu.memory_space<vmem>>[vector<16xi32>], vector<16xf32>,
      %swap3A = arith.index_cast %mul3A_87 : i32 to index
      %swap3A_89 = tpu.vector_load %arg12[%swap3A] {strides = array<i32>} : memref<512xf32, #tpu.memory_space<vmem>>, vector<16xf32>,
      tpu.vector_store %arg12[%swap3A], %gather3A {strides = array<i32>} : memref<512xf32, #tpu.memory_space<vmem>>, vector<16xf32>,
      %gather3A_90 = tpu.vector_load_idx %arg11[%get3A_88] : memref<1001xf32, #tpu.memory_space<vmem>>[vector<16xi32>], vector<16xf32>,
      %mul3A_91 = vector.broadcast %scan3A : f32 to vector<16xf32>
      %mul3A_92 = arith.mulf %gather3A_90, %mul3A_91 : vector<16xf32>
      %swap3A_93 = arith.index_cast %mul3A_87 : i32 to index
      %swap3A_94 = tpu.vector_load %arg13[%swap3A_93] {strides = array<i32>} : memref<512xf32, #tpu.memory_space<vmem>>, vector<16xf32>,
      tpu.vector_store %arg13[%swap3A_93], %mul3A_92 {strides = array<i32>} : memref<512xf32, #tpu.memory_space<vmem>>, vector<16xf32>,
      %scan3A_95 = arith.constant 1 : i32
      %scan3A_96 = arith.addi %scan3A_85, %scan3A_95 : i32
      %mul3A_97 = arith.constant 16 : i32
      %mul3A_98 = arith.muli %scan3A_96, %mul3A_97 : i32
      %get3A_99 = arith.index_cast %mul3A_98 : i32 to index
      %get3A_100 = tpu.vector_load %arg9[%get3A_99] {strides = array<i32>} : memref<512xi32, #tpu.memory_space<vmem>>, vector<16xi32>,
      %gather3A_101 = tpu.vector_load_idx %arg10[%get3A_100] : memref<1001xf32, #tpu.memory_space<vmem>>[vector<16xi32>], vector<16xf32>,
      %swap3A_102 = arith.index_cast %mul3A_98 : i32 to index
      %swap3A_103 = tpu.vector_load %arg12[%swap3A_102] {strides = array<i32>} : memref<512xf32, #tpu.memory_space<vmem>>, vector<16xf32>,
      tpu.vector_store %arg12[%swap3A_102], %gather3A_101 {strides = array<i32>} : memref<512xf32, #tpu.memory_space<vmem>>, vector<16xf32>,
      %gather3A_104 = tpu.vector_load_idx %arg11[%get3A_100] : memref<1001xf32, #tpu.memory_space<vmem>>[vector<16xi32>], vector<16xf32>,
      %mul3A_105 = vector.broadcast %scan3A : f32 to vector<16xf32>
      %mul3A_106 = arith.mulf %gather3A_104, %mul3A_105 : vector<16xf32>
      %swap3A_107 = arith.index_cast %mul3A_98 : i32 to index
      %swap3A_108 = tpu.vector_load %arg13[%swap3A_107] {strides = array<i32>} : memref<512xf32, #tpu.memory_space<vmem>>, vector<16xf32>,
      tpu.vector_store %arg13[%swap3A_107], %mul3A_106 {strides = array<i32>} : memref<512xf32, #tpu.memory_space<vmem>>, vector<16xf32>,
    }
    %scan3A_53 = arith.constant 32 : i32
    %dma_start3A_54 = tpu.memref_slice %arg8[%mul3A_2] : memref<16384xi32, #tpu.memory_space<hbm>> -> memref<512xi32, #tpu.memory_space<hbm>>
    %dma_start3A_55 = tpu.memref_slice %arg8[%mul3A_2] : memref<16384xi32, #tpu.memory_space<hbm>> -> memref<512xi32, #tpu.memory_space<hbm>>
    tpu.enqueue_dma source(%arg9 : memref<512xi32, #tpu.memory_space<vmem>>) target(%dma_start3A_55 : memref<512xi32, #tpu.memory_space<hbm>>) target_semaphore(%arg23 : memref<!tpu.dma_semaphore, #tpu.memory_space<semaphore_mem>>)
    %scan3A_56 = arith.constant 0 : i32
    %scan3A_57 = arith.constant 4 : i32
    %scan3A_58 = arith.addi %scan3A_56, %scan3A_57 : i32
    %scan3A_59 = arith.constant 1 : i32
    scf.for %scan3A_85 = %scan3A_56 to %scan3A_58 step %scan3A_59  : i32 {
      %mul3A_86 = arith.constant 2 : i32
      %mul3A_87 = arith.muli %mul3A_86, %scan3A_85 : i32
      %add3A_88 = arith.constant 0 : i32
      %add3A_89 = arith.addi %mul3A_87, %add3A_88 : i32
      %dma_wait3A_90 = arith.constant 0 : i32
      %dma_wait3A_91 = arith.constant 0 : i32
      %dma_wait3A_92 = tpu.memref_slice %arg14[%dma_wait3A_90, %dma_wait3A_91] : memref<2x4096xf32, #tpu.memory_space<vmem>> -> memref<1x4096xf32, #tpu.memory_space<vmem>>
      %dma_wait3A_93 = tpu.memref_squeeze %dma_wait3A_92 : memref<1x4096xf32, #tpu.memory_space<vmem>> -> memref<4096xf32, #tpu.memory_space<vmem>>
      %dma_wait3A_94 = arith.constant 0 : i32
      %dma_wait3A_95 = tpu.memref_slice %arg2[%dma_wait3A_94] : memref<1048576xf32, #tpu.memory_space<hbm>> -> memref<4096xf32, #tpu.memory_space<hbm>>
      %dma_wait3A_96 = arith.constant 0 : i32
      %dma_wait3A_97 = tpu.memref_slice %arg14[%dma_wait3A_90, %dma_wait3A_96] : memref<2x4096xf32, #tpu.memory_space<vmem>> -> memref<1x4096xf32, #tpu.memory_space<vmem>>
      %dma_wait3A_98 = tpu.memref_squeeze %dma_wait3A_97 : memref<1x4096xf32, #tpu.memory_space<vmem>> -> memref<4096xf32, #tpu.memory_space<vmem>>
      %dma_wait3A_99 = arith.constant 0 : i32
      %dma_wait3A_100 = tpu.memref_slice %arg2[%dma_wait3A_99] : memref<1048576xf32, #tpu.memory_space<hbm>> -> memref<4096xf32, #tpu.memory_space<hbm>>
      tpu.wait_dma2 semaphore(%arg17 : memref<!tpu.dma_semaphore, #tpu.memory_space<semaphore_mem>>) src(%dma_wait3A_100 : memref<4096xf32, #tpu.memory_space<hbm>>) dst(%dma_wait3A_98 : memref<4096xf32, #tpu.memory_space<vmem>>)
      %dma_wait3A_101 = arith.constant 0 : i32
      %dma_wait3A_102 = arith.constant 0 : i32
      %dma_wait3A_103 = tpu.memref_slice %arg15[%dma_wait3A_101, %dma_wait3A_102] : memref<2x4096xf32, #tpu.memory_space<vmem>> -> memref<1x4096xf32, #tpu.memory_space<vmem>>
      %dma_wait3A_104 = tpu.memref_squeeze %dma_wait3A_103 : memref<1x4096xf32, #tpu.memory_space<vmem>> -> memref<4096xf32, #tpu.memory_space<vmem>>
      %dma_wait3A_105 = arith.constant 0 : i32
      %dma_wait3A_106 = tpu.memref_slice %arg6[%dma_wait3A_105] : memref<1048576xf32, #tpu.memory_space<hbm>> -> memref<4096xf32, #tpu.memory_space<hbm>>
      %dma_wait3A_107 = arith.constant 0 : i32
      %dma_wait3A_108 = tpu.memref_slice %arg15[%dma_wait3A_101, %dma_wait3A_107] : memref<2x4096xf32, #tpu.memory_space<vmem>> -> memref<1x4096xf32, #tpu.memory_space<vmem>>
      %dma_wait3A_109 = tpu.memref_squeeze %dma_wait3A_108 : memref<1x4096xf32, #tpu.memory_space<vmem>> -> memref<4096xf32, #tpu.memory_space<vmem>>
      %dma_wait3A_110 = arith.constant 0 : i32
      %dma_wait3A_111 = tpu.memref_slice %arg6[%dma_wait3A_110] : memref<1048576xf32, #tpu.memory_space<hbm>> -> memref<4096xf32, #tpu.memory_space<hbm>>
      tpu.wait_dma2 semaphore(%arg19 : memref<!tpu.dma_semaphore, #tpu.memory_space<semaphore_mem>>) src(%dma_wait3A_111 : memref<4096xf32, #tpu.memory_space<hbm>>) dst(%dma_wait3A_109 : memref<4096xf32, #tpu.memory_space<vmem>>)
      %gt3A = arith.constant 0 : i32
      %gt3A_112 = arith.cmpi sgt, %scan3A_85, %gt3A : i32
      %convert_element_type3A = arith.extui %gt3A_112 : i1 to i32
      %cond3A = arith.constant 0 : i32
      %cond3A_113 = arith.cmpi ne, %convert_element_type3A, %cond3A : i32
      scf.if %cond3A_113 {
        %dma_wait3A_187 = arith.constant 0 : i32
        %dma_wait3A_188 = arith.constant 0 : i32
        %dma_wait3A_189 = tpu.memref_slice %arg16[%dma_wait3A_187, %dma_wait3A_188] : memref<2x4096xf32, #tpu.memory_space<vmem>> -> memref<1x4096xf32, #tpu.memory_space<vmem>>
        %dma_wait3A_190 = tpu.memref_squeeze %dma_wait3A_189 : memref<1x4096xf32, #tpu.memory_space<vmem>> -> memref<4096xf32, #tpu.memory_space<vmem>>
        %dma_wait3A_191 = arith.constant 0 : i32
        %dma_wait3A_192 = tpu.memref_slice %arg7[%dma_wait3A_191] : memref<1048576xf32, #tpu.memory_space<hbm>> -> memref<4096xf32, #tpu.memory_space<hbm>>
        %dma_wait3A_193 = arith.constant 0 : i32
        %dma_wait3A_194 = tpu.memref_slice %arg7[%dma_wait3A_193] : memref<1048576xf32, #tpu.memory_space<hbm>> -> memref<4096xf32, #tpu.memory_space<hbm>>
        %dma_wait3A_195 = arith.constant 0 : i32
        %dma_wait3A_196 = tpu.memref_slice %arg16[%dma_wait3A_187, %dma_wait3A_195] : memref<2x4096xf32, #tpu.memory_space<vmem>> -> memref<1x4096xf32, #tpu.memory_space<vmem>>
        %dma_wait3A_197 = tpu.memref_squeeze %dma_wait3A_196 : memref<1x4096xf32, #tpu.memory_space<vmem>> -> memref<4096xf32, #tpu.memory_space<vmem>>
        tpu.wait_dma2 semaphore(%arg21 : memref<!tpu.dma_semaphore, #tpu.memory_space<semaphore_mem>>) src(%dma_wait3A_197 : memref<4096xf32, #tpu.memory_space<vmem>>) dst(%dma_wait3A_194 : memref<4096xf32, #tpu.memory_space<hbm>>)
      } else {
      }
      %parallel_loop3A = arith.constant 0 : i32
      %parallel_loop3A_114 = arith.constant 32 : i32
      %parallel_loop3A_115 = arith.constant 1 : i32
      scf.for %parallel_loop3A_187 = %parallel_loop3A to %parallel_loop3A_114 step %parallel_loop3A_115  : i32 {
        %parallel_loop3A_188 = arith.constant 16 : i32
        %parallel_loop3A_189 = arith.muli %parallel_loop3A_187, %parallel_loop3A_188 : i32
        %parallel_loop3A_190 = arith.index_cast %parallel_loop3A_189 : i32 to index
        %parallel_loop3A_191 = tpu.vector_load %arg12[%parallel_loop3A_190] {strides = array<i32>} : memref<512xf32, #tpu.memory_space<vmem>>, vector<16xf32>,
        %parallel_loop3A_192 = arith.index_cast %parallel_loop3A_189 : i32 to index
        %parallel_loop3A_193 = tpu.vector_load %arg13[%parallel_loop3A_192] {strides = array<i32>} : memref<512xf32, #tpu.memory_space<vmem>>, vector<16xf32>,
        %parallel_loop3A_194 = arith.constant 8 : i32
        %parallel_loop3A_195 = arith.divsi %parallel_loop3A_187, %parallel_loop3A_194 : i32
        %parallel_loop3A_196 = arith.constant 0 : i32
        %parallel_loop3A_197 = arith.cmpi sgt, %parallel_loop3A_187, %parallel_loop3A_196 : i32
        %parallel_loop3A_198 = arith.extui %parallel_loop3A_197 : i1 to i32
        %parallel_loop3A_199 = arith.constant 0 : i32
        %parallel_loop3A_200 = arith.cmpi slt, %parallel_loop3A_187, %parallel_loop3A_199 : i32
        %parallel_loop3A_201 = arith.extui %parallel_loop3A_200 : i1 to i32
        %parallel_loop3A_202 = arith.subi %parallel_loop3A_198, %parallel_loop3A_201 : i32
        %parallel_loop3A_203 = arith.constant 0 : i32
        %parallel_loop3A_204 = arith.cmpi sgt, %parallel_loop3A_194, %parallel_loop3A_203 : i32
        %parallel_loop3A_205 = arith.extui %parallel_loop3A_204 : i1 to i32
        %parallel_loop3A_206 = arith.constant 0 : i32
        %parallel_loop3A_207 = arith.cmpi slt, %parallel_loop3A_194, %parallel_loop3A_206 : i32
        %parallel_loop3A_208 = arith.extui %parallel_loop3A_207 : i1 to i32
        %parallel_loop3A_209 = arith.subi %parallel_loop3A_205, %parallel_loop3A_208 : i32
        %parallel_loop3A_210 = arith.cmpi ne, %parallel_loop3A_202, %parallel_loop3A_209 : i32
        %parallel_loop3A_211 = arith.remsi %parallel_loop3A_187, %parallel_loop3A_194 : i32
        %parallel_loop3A_212 = arith.constant 0 : i32
        %parallel_loop3A_213 = arith.cmpi ne, %parallel_loop3A_211, %parallel_loop3A_212 : i32
        %parallel_loop3A_214 = arith.andi %parallel_loop3A_210, %parallel_loop3A_213 : i1
        %parallel_loop3A_215 = arith.constant 1 : i32
        %parallel_loop3A_216 = arith.subi %parallel_loop3A_195, %parallel_loop3A_215 : i32
        %parallel_loop3A_217 = arith.select %parallel_loop3A_214, %parallel_loop3A_216, %parallel_loop3A_195 : i32
        %parallel_loop3A_218 = arith.constant 8 : i32
        %parallel_loop3A_219 = arith.constant 0 : i32
        %parallel_loop3A_220 = arith.cmpi eq, %parallel_loop3A_218, %parallel_loop3A_219 : i32
        %parallel_loop3A_221 = arith.constant 1 : i32
        %parallel_loop3A_222 = arith.select %parallel_loop3A_220, %parallel_loop3A_221, %parallel_loop3A_218 : i32
        %parallel_loop3A_223 = arith.remsi %parallel_loop3A_187, %parallel_loop3A_222 : i32
        %parallel_loop3A_224 = arith.constant 0 : i32
        %parallel_loop3A_225 = arith.cmpi ne, %parallel_loop3A_223, %parallel_loop3A_224 : i32
        %parallel_loop3A_226 = arith.constant 0 : i32
        %parallel_loop3A_227 = arith.cmpi slt, %parallel_loop3A_223, %parallel_loop3A_226 : i32
        %parallel_loop3A_228 = arith.constant 0 : i32
        %parallel_loop3A_229 = arith.cmpi slt, %parallel_loop3A_222, %parallel_loop3A_228 : i32
        %parallel_loop3A_230 = arith.xori %parallel_loop3A_227, %parallel_loop3A_229 : i1
        %parallel_loop3A_231 = arith.andi %parallel_loop3A_230, %parallel_loop3A_225 : i1
        %parallel_loop3A_232 = arith.addi %parallel_loop3A_223, %parallel_loop3A_222 : i32
        %parallel_loop3A_233 = arith.select %parallel_loop3A_231, %parallel_loop3A_232, %parallel_loop3A_223 : i32
        %parallel_loop3A_234 = arith.constant 16 : i32
        %parallel_loop3A_235 = arith.muli %parallel_loop3A_233, %parallel_loop3A_234 : i32
        %parallel_loop3A_236 = arith.constant 1024 : i32
        %parallel_loop3A_237 = arith.muli %parallel_loop3A_217, %parallel_loop3A_236 : i32
        %parallel_loop3A_238 = arith.constant 0 : i32
        %parallel_loop3A_239 = arith.addi %parallel_loop3A_237, %parallel_loop3A_238 : i32
        %parallel_loop3A_240 = arith.addi %parallel_loop3A_239, %parallel_loop3A_235 : i32
        %parallel_loop3A_241 = arith.constant 0 : i32
        %parallel_loop3A_242 = arith.index_cast %parallel_loop3A_241 : i32 to index
        %parallel_loop3A_243 = arith.index_cast %parallel_loop3A_240 : i32 to index
        %parallel_loop3A_244 = tpu.vector_load %arg14[%parallel_loop3A_242, %parallel_loop3A_243] {strides = array<i32>} : memref<2x4096xf32, #tpu.memory_space<vmem>>, vector<16xf32>,
        %parallel_loop3A_245 = arith.mulf %parallel_loop3A_191, %parallel_loop3A_244 : vector<16xf32>
        %parallel_loop3A_246 = arith.constant 0 : i32
        %parallel_loop3A_247 = arith.index_cast %parallel_loop3A_246 : i32 to index
        %parallel_loop3A_248 = arith.index_cast %parallel_loop3A_240 : i32 to index
        %parallel_loop3A_249 = tpu.vector_load %arg15[%parallel_loop3A_247, %parallel_loop3A_248] {strides = array<i32>} : memref<2x4096xf32, #tpu.memory_space<vmem>>, vector<16xf32>,
        %parallel_loop3A_250 = arith.mulf %parallel_loop3A_193, %parallel_loop3A_249 : vector<16xf32>
        %parallel_loop3A_251 = arith.addf %parallel_loop3A_245, %parallel_loop3A_250 : vector<16xf32>
        %parallel_loop3A_252 = arith.constant 0 : i32
        %parallel_loop3A_253 = arith.index_cast %parallel_loop3A_252 : i32 to index
        %parallel_loop3A_254 = arith.index_cast %parallel_loop3A_240 : i32 to index
        %parallel_loop3A_255 = tpu.vector_load %arg16[%parallel_loop3A_253, %parallel_loop3A_254] {strides = array<i32>} : memref<2x4096xf32, #tpu.memory_space<vmem>>, vector<16xf32>,
        tpu.vector_store %arg16[%parallel_loop3A_253, %parallel_loop3A_254], %parallel_loop3A_251 {strides = array<i32>} : memref<2x4096xf32, #tpu.memory_space<vmem>>, vector<16xf32>,
        %parallel_loop3A_256 = arith.constant 1024 : i32
        %parallel_loop3A_257 = arith.muli %parallel_loop3A_217, %parallel_loop3A_256 : i32
        %parallel_loop3A_258 = arith.constant 128 : i32
        %parallel_loop3A_259 = arith.addi %parallel_loop3A_257, %parallel_loop3A_258 : i32
        %parallel_loop3A_260 = arith.addi %parallel_loop3A_259, %parallel_loop3A_235 : i32
        %parallel_loop3A_261 = arith.constant 0 : i32
        %parallel_loop3A_262 = arith.index_cast %parallel_loop3A_261 : i32 to index
        %parallel_loop3A_263 = arith.index_cast %parallel_loop3A_260 : i32 to index
        %parallel_loop3A_264 = tpu.vector_load %arg14[%parallel_loop3A_262, %parallel_loop3A_263] {strides = array<i32>} : memref<2x4096xf32, #tpu.memory_space<vmem>>, vector<16xf32>,
        %parallel_loop3A_265 = arith.mulf %parallel_loop3A_191, %parallel_loop3A_264 : vector<16xf32>
        %parallel_loop3A_266 = arith.constant 0 : i32
        %parallel_loop3A_267 = arith.index_cast %parallel_loop3A_266 : i32 to index
        %parallel_loop3A_268 = arith.index_cast %parallel_loop3A_260 : i32 to index
        %parallel_loop3A_269 = tpu.vector_load %arg15[%parallel_loop3A_267, %parallel_loop3A_268] {strides = array<i32>} : memref<2x4096xf32, #tpu.memory_space<vmem>>, vector<16xf32>,
        %parallel_loop3A_270 = arith.mulf %parallel_loop3A_193, %parallel_loop3A_269 : vector<16xf32>
        %parallel_loop3A_271 = arith.addf %parallel_loop3A_265, %parallel_loop3A_270 : vector<16xf32>
        %parallel_loop3A_272 = arith.constant 0 : i32
        %parallel_loop3A_273 = arith.index_cast %parallel_loop3A_272 : i32 to index
        %parallel_loop3A_274 = arith.index_cast %parallel_loop3A_260 : i32 to index
        %parallel_loop3A_275 = tpu.vector_load %arg16[%parallel_loop3A_273, %parallel_loop3A_274] {strides = array<i32>} : memref<2x4096xf32, #tpu.memory_space<vmem>>, vector<16xf32>,
        tpu.vector_store %arg16[%parallel_loop3A_273, %parallel_loop3A_274], %parallel_loop3A_271 {strides = array<i32>} : memref<2x4096xf32, #tpu.memory_space<vmem>>, vector<16xf32>,
        %parallel_loop3A_276 = arith.constant 1024 : i32
        %parallel_loop3A_277 = arith.muli %parallel_loop3A_217, %parallel_loop3A_276 : i32
        %parallel_loop3A_278 = arith.constant 256 : i32
        %parallel_loop3A_279 = arith.addi %parallel_loop3A_277, %parallel_loop3A_278 : i32
        %parallel_loop3A_280 = arith.addi %parallel_loop3A_279, %parallel_loop3A_235 : i32
        %parallel_loop3A_281 = arith.constant 0 : i32
        %parallel_loop3A_282 = arith.index_cast %parallel_loop3A_281 : i32 to index
        %parallel_loop3A_283 = arith.index_cast %parallel_loop3A_280 : i32 to index
        %parallel_loop3A_284 = tpu.vector_load %arg14[%parallel_loop3A_282, %parallel_loop3A_283] {strides = array<i32>} : memref<2x4096xf32, #tpu.memory_space<vmem>>, vector<16xf32>,
        %parallel_loop3A_285 = arith.mulf %parallel_loop3A_191, %parallel_loop3A_284 : vector<16xf32>
        %parallel_loop3A_286 = arith.constant 0 : i32
        %parallel_loop3A_287 = arith.index_cast %parallel_loop3A_286 : i32 to index
        %parallel_loop3A_288 = arith.index_cast %parallel_loop3A_280 : i32 to index
        %parallel_loop3A_289 = tpu.vector_load %arg15[%parallel_loop3A_287, %parallel_loop3A_288] {strides = array<i32>} : memref<2x4096xf32, #tpu.memory_space<vmem>>, vector<16xf32>,
        %parallel_loop3A_290 = arith.mulf %parallel_loop3A_193, %parallel_loop3A_289 : vector<16xf32>
        %parallel_loop3A_291 = arith.addf %parallel_loop3A_285, %parallel_loop3A_290 : vector<16xf32>
        %parallel_loop3A_292 = arith.constant 0 : i32
        %parallel_loop3A_293 = arith.index_cast %parallel_loop3A_292 : i32 to index
        %parallel_loop3A_294 = arith.index_cast %parallel_loop3A_280 : i32 to index
        %parallel_loop3A_295 = tpu.vector_load %arg16[%parallel_loop3A_293, %parallel_loop3A_294] {strides = array<i32>} : memref<2x4096xf32, #tpu.memory_space<vmem>>, vector<16xf32>,
        tpu.vector_store %arg16[%parallel_loop3A_293, %parallel_loop3A_294], %parallel_loop3A_291 {strides = array<i32>} : memref<2x4096xf32, #tpu.memory_space<vmem>>, vector<16xf32>,
        %parallel_loop3A_296 = arith.constant 1024 : i32
        %parallel_loop3A_297 = arith.muli %parallel_loop3A_217, %parallel_loop3A_296 : i32
        %parallel_loop3A_298 = arith.constant 384 : i32
        %parallel_loop3A_299 = arith.addi %parallel_loop3A_297, %parallel_loop3A_298 : i32
        %parallel_loop3A_300 = arith.addi %parallel_loop3A_299, %parallel_loop3A_235 : i32
        %parallel_loop3A_301 = arith.constant 0 : i32
        %parallel_loop3A_302 = arith.index_cast %parallel_loop3A_301 : i32 to index
        %parallel_loop3A_303 = arith.index_cast %parallel_loop3A_300 : i32 to index
        %parallel_loop3A_304 = tpu.vector_load %arg14[%parallel_loop3A_302, %parallel_loop3A_303] {strides = array<i32>} : memref<2x4096xf32, #tpu.memory_space<vmem>>, vector<16xf32>,
        %parallel_loop3A_305 = arith.mulf %parallel_loop3A_191, %parallel_loop3A_304 : vector<16xf32>
        %parallel_loop3A_306 = arith.constant 0 : i32
        %parallel_loop3A_307 = arith.index_cast %parallel_loop3A_306 : i32 to index
        %parallel_loop3A_308 = arith.index_cast %parallel_loop3A_300 : i32 to index
        %parallel_loop3A_309 = tpu.vector_load %arg15[%parallel_loop3A_307, %parallel_loop3A_308] {strides = array<i32>} : memref<2x4096xf32, #tpu.memory_space<vmem>>, vector<16xf32>,
        %parallel_loop3A_310 = arith.mulf %parallel_loop3A_193, %parallel_loop3A_309 : vector<16xf32>
        %parallel_loop3A_311 = arith.addf %parallel_loop3A_305, %parallel_loop3A_310 : vector<16xf32>
        %parallel_loop3A_312 = arith.constant 0 : i32
        %parallel_loop3A_313 = arith.index_cast %parallel_loop3A_312 : i32 to index
        %parallel_loop3A_314 = arith.index_cast %parallel_loop3A_300 : i32 to index
        %parallel_loop3A_315 = tpu.vector_load %arg16[%parallel_loop3A_313, %parallel_loop3A_314] {strides = array<i32>} : memref<2x4096xf32, #tpu.memory_space<vmem>>, vector<16xf32>,
        tpu.vector_store %arg16[%parallel_loop3A_313, %parallel_loop3A_314], %parallel_loop3A_311 {strides = array<i32>} : memref<2x4096xf32, #tpu.memory_space<vmem>>, vector<16xf32>,
        %parallel_loop3A_316 = arith.constant 1024 : i32
        %parallel_loop3A_317 = arith.muli %parallel_loop3A_217, %parallel_loop3A_316 : i32
        %parallel_loop3A_318 = arith.constant 512 : i32
        %parallel_loop3A_319 = arith.addi %parallel_loop3A_317, %parallel_loop3A_318 : i32
        %parallel_loop3A_320 = arith.addi %parallel_loop3A_319, %parallel_loop3A_235 : i32
        %parallel_loop3A_321 = arith.constant 0 : i32
        %parallel_loop3A_322 = arith.index_cast %parallel_loop3A_321 : i32 to index
        %parallel_loop3A_323 = arith.index_cast %parallel_loop3A_320 : i32 to index
        %parallel_loop3A_324 = tpu.vector_load %arg14[%parallel_loop3A_322, %parallel_loop3A_323] {strides = array<i32>} : memref<2x4096xf32, #tpu.memory_space<vmem>>, vector<16xf32>,
        %parallel_loop3A_325 = arith.mulf %parallel_loop3A_191, %parallel_loop3A_324 : vector<16xf32>
        %parallel_loop3A_326 = arith.constant 0 : i32
        %parallel_loop3A_327 = arith.index_cast %parallel_loop3A_326 : i32 to index
        %parallel_loop3A_328 = arith.index_cast %parallel_loop3A_320 : i32 to index
        %parallel_loop3A_329 = tpu.vector_load %arg15[%parallel_loop3A_327, %parallel_loop3A_328] {strides = array<i32>} : memref<2x4096xf32, #tpu.memory_space<vmem>>, vector<16xf32>,
        %parallel_loop3A_330 = arith.mulf %parallel_loop3A_193, %parallel_loop3A_329 : vector<16xf32>
        %parallel_loop3A_331 = arith.addf %parallel_loop3A_325, %parallel_loop3A_330 : vector<16xf32>
        %parallel_loop3A_332 = arith.constant 0 : i32
        %parallel_loop3A_333 = arith.index_cast %parallel_loop3A_332 : i32 to index
        %parallel_loop3A_334 = arith.index_cast %parallel_loop3A_320 : i32 to index
        %parallel_loop3A_335 = tpu.vector_load %arg16[%parallel_loop3A_333, %parallel_loop3A_334] {strides = array<i32>} : memref<2x4096xf32, #tpu.memory_space<vmem>>, vector<16xf32>,
        tpu.vector_store %arg16[%parallel_loop3A_333, %parallel_loop3A_334], %parallel_loop3A_331 {strides = array<i32>} : memref<2x4096xf32, #tpu.memory_space<vmem>>, vector<16xf32>,
        %parallel_loop3A_336 = arith.constant 1024 : i32
        %parallel_loop3A_337 = arith.muli %parallel_loop3A_217, %parallel_loop3A_336 : i32
        %parallel_loop3A_338 = arith.constant 640 : i32
        %parallel_loop3A_339 = arith.addi %parallel_loop3A_337, %parallel_loop3A_338 : i32
        %parallel_loop3A_340 = arith.addi %parallel_loop3A_339, %parallel_loop3A_235 : i32
        %parallel_loop3A_341 = arith.constant 0 : i32
        %parallel_loop3A_342 = arith.index_cast %parallel_loop3A_341 : i32 to index
        %parallel_loop3A_343 = arith.index_cast %parallel_loop3A_340 : i32 to index
        %parallel_loop3A_344 = tpu.vector_load %arg14[%parallel_loop3A_342, %parallel_loop3A_343] {strides = array<i32>} : memref<2x4096xf32, #tpu.memory_space<vmem>>, vector<16xf32>,
        %parallel_loop3A_345 = arith.mulf %parallel_loop3A_191, %parallel_loop3A_344 : vector<16xf32>
        %parallel_loop3A_346 = arith.constant 0 : i32
        %parallel_loop3A_347 = arith.index_cast %parallel_loop3A_346 : i32 to index
        %parallel_loop3A_348 = arith.index_cast %parallel_loop3A_340 : i32 to index
        %parallel_loop3A_349 = tpu.vector_load %arg15[%parallel_loop3A_347, %parallel_loop3A_348] {strides = array<i32>} : memref<2x4096xf32, #tpu.memory_space<vmem>>, vector<16xf32>,
        %parallel_loop3A_350 = arith.mulf %parallel_loop3A_193, %parallel_loop3A_349 : vector<16xf32>
        %parallel_loop3A_351 = arith.addf %parallel_loop3A_345, %parallel_loop3A_350 : vector<16xf32>
        %parallel_loop3A_352 = arith.constant 0 : i32
        %parallel_loop3A_353 = arith.index_cast %parallel_loop3A_352 : i32 to index
        %parallel_loop3A_354 = arith.index_cast %parallel_loop3A_340 : i32 to index
        %parallel_loop3A_355 = tpu.vector_load %arg16[%parallel_loop3A_353, %parallel_loop3A_354] {strides = array<i32>} : memref<2x4096xf32, #tpu.memory_space<vmem>>, vector<16xf32>,
        tpu.vector_store %arg16[%parallel_loop3A_353, %parallel_loop3A_354], %parallel_loop3A_351 {strides = array<i32>} : memref<2x4096xf32, #tpu.memory_space<vmem>>, vector<16xf32>,
        %parallel_loop3A_356 = arith.constant 1024 : i32
        %parallel_loop3A_357 = arith.muli %parallel_loop3A_217, %parallel_loop3A_356 : i32
        %parallel_loop3A_358 = arith.constant 768 : i32
        %parallel_loop3A_359 = arith.addi %parallel_loop3A_357, %parallel_loop3A_358 : i32
        %parallel_loop3A_360 = arith.addi %parallel_loop3A_359, %parallel_loop3A_235 : i32
        %parallel_loop3A_361 = arith.constant 0 : i32
        %parallel_loop3A_362 = arith.index_cast %parallel_loop3A_361 : i32 to index
        %parallel_loop3A_363 = arith.index_cast %parallel_loop3A_360 : i32 to index
        %parallel_loop3A_364 = tpu.vector_load %arg14[%parallel_loop3A_362, %parallel_loop3A_363] {strides = array<i32>} : memref<2x4096xf32, #tpu.memory_space<vmem>>, vector<16xf32>,
        %parallel_loop3A_365 = arith.mulf %parallel_loop3A_191, %parallel_loop3A_364 : vector<16xf32>
        %parallel_loop3A_366 = arith.constant 0 : i32
        %parallel_loop3A_367 = arith.index_cast %parallel_loop3A_366 : i32 to index
        %parallel_loop3A_368 = arith.index_cast %parallel_loop3A_360 : i32 to index
        %parallel_loop3A_369 = tpu.vector_load %arg15[%parallel_loop3A_367, %parallel_loop3A_368] {strides = array<i32>} : memref<2x4096xf32, #tpu.memory_space<vmem>>, vector<16xf32>,
        %parallel_loop3A_370 = arith.mulf %parallel_loop3A_193, %parallel_loop3A_369 : vector<16xf32>
        %parallel_loop3A_371 = arith.addf %parallel_loop3A_365, %parallel_loop3A_370 : vector<16xf32>
        %parallel_loop3A_372 = arith.constant 0 : i32
        %parallel_loop3A_373 = arith.index_cast %parallel_loop3A_372 : i32 to index
        %parallel_loop3A_374 = arith.index_cast %parallel_loop3A_360 : i32 to index
        %parallel_loop3A_375 = tpu.vector_load %arg16[%parallel_loop3A_373, %parallel_loop3A_374] {strides = array<i32>} : memref<2x4096xf32, #tpu.memory_space<vmem>>, vector<16xf32>,
        tpu.vector_store %arg16[%parallel_loop3A_373, %parallel_loop3A_374], %parallel_loop3A_371 {strides = array<i32>} : memref<2x4096xf32, #tpu.memory_space<vmem>>, vector<16xf32>,
        %parallel_loop3A_376 = arith.constant 1024 : i32
        %parallel_loop3A_377 = arith.muli %parallel_loop3A_217, %parallel_loop3A_376 : i32
        %parallel_loop3A_378 = arith.constant 896 : i32
        %parallel_loop3A_379 = arith.addi %parallel_loop3A_377, %parallel_loop3A_378 : i32
        %parallel_loop3A_380 = arith.addi %parallel_loop3A_379, %parallel_loop3A_235 : i32
        %parallel_loop3A_381 = arith.constant 0 : i32
        %parallel_loop3A_382 = arith.index_cast %parallel_loop3A_381 : i32 to index
        %parallel_loop3A_383 = arith.index_cast %parallel_loop3A_380 : i32 to index
        %parallel_loop3A_384 = tpu.vector_load %arg14[%parallel_loop3A_382, %parallel_loop3A_383] {strides = array<i32>} : memref<2x4096xf32, #tpu.memory_space<vmem>>, vector<16xf32>,
        %parallel_loop3A_385 = arith.mulf %parallel_loop3A_191, %parallel_loop3A_384 : vector<16xf32>
        %parallel_loop3A_386 = arith.constant 0 : i32
        %parallel_loop3A_387 = arith.index_cast %parallel_loop3A_386 : i32 to index
        %parallel_loop3A_388 = arith.index_cast %parallel_loop3A_380 : i32 to index
        %parallel_loop3A_389 = tpu.vector_load %arg15[%parallel_loop3A_387, %parallel_loop3A_388] {strides = array<i32>} : memref<2x4096xf32, #tpu.memory_space<vmem>>, vector<16xf32>,
        %parallel_loop3A_390 = arith.mulf %parallel_loop3A_193, %parallel_loop3A_389 : vector<16xf32>
        %parallel_loop3A_391 = arith.addf %parallel_loop3A_385, %parallel_loop3A_390 : vector<16xf32>
        %parallel_loop3A_392 = arith.constant 0 : i32
        %parallel_loop3A_393 = arith.index_cast %parallel_loop3A_392 : i32 to index
        %parallel_loop3A_394 = arith.index_cast %parallel_loop3A_380 : i32 to index
        %parallel_loop3A_395 = tpu.vector_load %arg16[%parallel_loop3A_393, %parallel_loop3A_394] {strides = array<i32>} : memref<2x4096xf32, #tpu.memory_space<vmem>>, vector<16xf32>,
        tpu.vector_store %arg16[%parallel_loop3A_393, %parallel_loop3A_394], %parallel_loop3A_391 {strides = array<i32>} : memref<2x4096xf32, #tpu.memory_space<vmem>>, vector<16xf32>,
      } {sc.loop_unroll_factor = 2 : i64, sc.parallel_access}
      %mul3A_116 = arith.constant 131072 : i32
      %mul3A_117 = arith.muli %add3A_89, %mul3A_116 : i32
      %mul3A_118 = arith.constant 4096 : i32
      %mul3A_119 = arith.muli %add3A, %mul3A_118 : i32
      %add3A_120 = arith.addi %mul3A_117, %mul3A_119 : i32
      %dma_start3A_121 = arith.constant 0 : i32
      %dma_start3A_122 = arith.constant 0 : i32
      %dma_start3A_123 = tpu.memref_slice %arg16[%dma_start3A_121, %dma_start3A_122] : memref<2x4096xf32, #tpu.memory_space<vmem>> -> memref<1x4096xf32, #tpu.memory_space<vmem>>
      %dma_start3A_124 = tpu.memref_squeeze %dma_start3A_123 : memref<1x4096xf32, #tpu.memory_space<vmem>> -> memref<4096xf32, #tpu.memory_space<vmem>>
      %dma_start3A_125 = tpu.memref_slice %arg7[%add3A_120] : memref<1048576xf32, #tpu.memory_space<hbm>> -> memref<4096xf32, #tpu.memory_space<hbm>>
      %dma_start3A_126 = tpu.memref_slice %arg7[%add3A_120] : memref<1048576xf32, #tpu.memory_space<hbm>> -> memref<4096xf32, #tpu.memory_space<hbm>>
      %dma_start3A_127 = arith.constant 0 : i32
      %dma_start3A_128 = tpu.memref_slice %arg16[%dma_start3A_121, %dma_start3A_127] : memref<2x4096xf32, #tpu.memory_space<vmem>> -> memref<1x4096xf32, #tpu.memory_space<vmem>>
      %dma_start3A_129 = tpu.memref_squeeze %dma_start3A_128 : memref<1x4096xf32, #tpu.memory_space<vmem>> -> memref<4096xf32, #tpu.memory_space<vmem>>
      tpu.enqueue_dma source(%dma_start3A_129 : memref<4096xf32, #tpu.memory_space<vmem>>) target(%dma_start3A_126 : memref<4096xf32, #tpu.memory_space<hbm>>) target_semaphore(%arg21 : memref<!tpu.dma_semaphore, #tpu.memory_space<semaphore_mem>>)
      %lt3A = arith.constant 3 : i32
      %lt3A_130 = arith.cmpi slt, %scan3A_85, %lt3A : i32
      %convert_element_type3A_131 = arith.extui %lt3A_130 : i1 to i32
      %cond3A_132 = arith.constant 0 : i32
      %cond3A_133 = arith.cmpi ne, %convert_element_type3A_131, %cond3A_132 : i32
      scf.if %cond3A_133 {
        %add3A_187 = arith.constant 2 : i32
        %add3A_188 = arith.addi %add3A_89, %add3A_187 : i32
        %mul3A_189 = arith.constant 131072 : i32
        %mul3A_190 = arith.muli %add3A_188, %mul3A_189 : i32
        %mul3A_191 = arith.constant 4096 : i32
        %mul3A_192 = arith.muli %add3A, %mul3A_191 : i32
        %add3A_193 = arith.addi %mul3A_190, %mul3A_192 : i32
        %dma_start3A_194 = arith.constant 0 : i32
        %dma_start3A_195 = arith.constant 0 : i32
        %dma_start3A_196 = tpu.memref_slice %arg14[%dma_start3A_194, %dma_start3A_195] : memref<2x4096xf32, #tpu.memory_space<vmem>> -> memref<1x4096xf32, #tpu.memory_space<vmem>>
        %dma_start3A_197 = tpu.memref_squeeze %dma_start3A_196 : memref<1x4096xf32, #tpu.memory_space<vmem>> -> memref<4096xf32, #tpu.memory_space<vmem>>
        %dma_start3A_198 = tpu.memref_slice %arg2[%add3A_193] : memref<1048576xf32, #tpu.memory_space<hbm>> -> memref<4096xf32, #tpu.memory_space<hbm>>
        %dma_start3A_199 = arith.constant 0 : i32
        %dma_start3A_200 = tpu.memref_slice %arg14[%dma_start3A_194, %dma_start3A_199] : memref<2x4096xf32, #tpu.memory_space<vmem>> -> memref<1x4096xf32, #tpu.memory_space<vmem>>
        %dma_start3A_201 = tpu.memref_squeeze %dma_start3A_200 : memref<1x4096xf32, #tpu.memory_space<vmem>> -> memref<4096xf32, #tpu.memory_space<vmem>>
        %dma_start3A_202 = tpu.memref_slice %arg2[%add3A_193] : memref<1048576xf32, #tpu.memory_space<hbm>> -> memref<4096xf32, #tpu.memory_space<hbm>>
        tpu.enqueue_dma source(%dma_start3A_202 : memref<4096xf32, #tpu.memory_space<hbm>>) target(%dma_start3A_201 : memref<4096xf32, #tpu.memory_space<vmem>>) target_semaphore(%arg17 : memref<!tpu.dma_semaphore, #tpu.memory_space<semaphore_mem>>)
        %dma_start3A_203 = arith.constant 0 : i32
        %dma_start3A_204 = arith.constant 0 : i32
        %dma_start3A_205 = tpu.memref_slice %arg15[%dma_start3A_203, %dma_start3A_204] : memref<2x4096xf32, #tpu.memory_space<vmem>> -> memref<1x4096xf32, #tpu.memory_space<vmem>>
        %dma_start3A_206 = tpu.memref_squeeze %dma_start3A_205 : memref<1x4096xf32, #tpu.memory_space<vmem>> -> memref<4096xf32, #tpu.memory_space<vmem>>
        %dma_start3A_207 = tpu.memref_slice %arg6[%add3A_193] : memref<1048576xf32, #tpu.memory_space<hbm>> -> memref<4096xf32, #tpu.memory_space<hbm>>
        %dma_start3A_208 = arith.constant 0 : i32
        %dma_start3A_209 = tpu.memref_slice %arg15[%dma_start3A_203, %dma_start3A_208] : memref<2x4096xf32, #tpu.memory_space<vmem>> -> memref<1x4096xf32, #tpu.memory_space<vmem>>
        %dma_start3A_210 = tpu.memref_squeeze %dma_start3A_209 : memref<1x4096xf32, #tpu.memory_space<vmem>> -> memref<4096xf32, #tpu.memory_space<vmem>>
        %dma_start3A_211 = tpu.memref_slice %arg6[%add3A_193] : memref<1048576xf32, #tpu.memory_space<hbm>> -> memref<4096xf32, #tpu.memory_space<hbm>>
        tpu.enqueue_dma source(%dma_start3A_211 : memref<4096xf32, #tpu.memory_space<hbm>>) target(%dma_start3A_210 : memref<4096xf32, #tpu.memory_space<vmem>>) target_semaphore(%arg19 : memref<!tpu.dma_semaphore, #tpu.memory_space<semaphore_mem>>)
      } else {
      }
      %mul3A_134 = arith.constant 2 : i32
      %mul3A_135 = arith.muli %mul3A_134, %scan3A_85 : i32
      %add3A_136 = arith.constant 1 : i32
      %add3A_137 = arith.addi %mul3A_135, %add3A_136 : i32
      %dma_wait3A_138 = arith.constant 1 : i32
      %dma_wait3A_139 = arith.constant 0 : i32
      %dma_wait3A_140 = tpu.memref_slice %arg14[%dma_wait3A_138, %dma_wait3A_139] : memref<2x4096xf32, #tpu.memory_space<vmem>> -> memref<1x4096xf32, #tpu.memory_space<vmem>>
      %dma_wait3A_141 = tpu.memref_squeeze %dma_wait3A_140 : memref<1x4096xf32, #tpu.memory_space<vmem>> -> memref<4096xf32, #tpu.memory_space<vmem>>
      %dma_wait3A_142 = arith.constant 0 : i32
      %dma_wait3A_143 = tpu.memref_slice %arg2[%dma_wait3A_142] : memref<1048576xf32, #tpu.memory_space<hbm>> -> memref<4096xf32, #tpu.memory_space<hbm>>
      %dma_wait3A_144 = arith.constant 0 : i32
      %dma_wait3A_145 = tpu.memref_slice %arg14[%dma_wait3A_138, %dma_wait3A_144] : memref<2x4096xf32, #tpu.memory_space<vmem>> -> memref<1x4096xf32, #tpu.memory_space<vmem>>
      %dma_wait3A_146 = tpu.memref_squeeze %dma_wait3A_145 : memref<1x4096xf32, #tpu.memory_space<vmem>> -> memref<4096xf32, #tpu.memory_space<vmem>>
      %dma_wait3A_147 = arith.constant 0 : i32
      %dma_wait3A_148 = tpu.memref_slice %arg2[%dma_wait3A_147] : memref<1048576xf32, #tpu.memory_space<hbm>> -> memref<4096xf32, #tpu.memory_space<hbm>>
      tpu.wait_dma2 semaphore(%arg18 : memref<!tpu.dma_semaphore, #tpu.memory_space<semaphore_mem>>) src(%dma_wait3A_148 : memref<4096xf32, #tpu.memory_space<hbm>>) dst(%dma_wait3A_146 : memref<4096xf32, #tpu.memory_space<vmem>>)
      %dma_wait3A_149 = arith.constant 1 : i32
      %dma_wait3A_150 = arith.constant 0 : i32
      %dma_wait3A_151 = tpu.memref_slice %arg15[%dma_wait3A_149, %dma_wait3A_150] : memref<2x4096xf32, #tpu.memory_space<vmem>> -> memref<1x4096xf32, #tpu.memory_space<vmem>>
      %dma_wait3A_152 = tpu.memref_squeeze %dma_wait3A_151 : memref<1x4096xf32, #tpu.memory_space<vmem>> -> memref<4096xf32, #tpu.memory_space<vmem>>
      %dma_wait3A_153 = arith.constant 0 : i32
      %dma_wait3A_154 = tpu.memref_slice %arg6[%dma_wait3A_153] : memref<1048576xf32, #tpu.memory_space<hbm>> -> memref<4096xf32, #tpu.memory_space<hbm>>
      %dma_wait3A_155 = arith.constant 0 : i32
      %dma_wait3A_156 = tpu.memref_slice %arg15[%dma_wait3A_149, %dma_wait3A_155] : memref<2x4096xf32, #tpu.memory_space<vmem>> -> memref<1x4096xf32, #tpu.memory_space<vmem>>
      %dma_wait3A_157 = tpu.memref_squeeze %dma_wait3A_156 : memref<1x4096xf32, #tpu.memory_space<vmem>> -> memref<4096xf32, #tpu.memory_space<vmem>>
      %dma_wait3A_158 = arith.constant 0 : i32
      %dma_wait3A_159 = tpu.memref_slice %arg6[%dma_wait3A_158] : memref<1048576xf32, #tpu.memory_space<hbm>> -> memref<4096xf32, #tpu.memory_space<hbm>>
      tpu.wait_dma2 semaphore(%arg20 : memref<!tpu.dma_semaphore, #tpu.memory_space<semaphore_mem>>) src(%dma_wait3A_159 : memref<4096xf32, #tpu.memory_space<hbm>>) dst(%dma_wait3A_157 : memref<4096xf32, #tpu.memory_space<vmem>>)
      %gt3A_160 = arith.constant 0 : i32
      %gt3A_161 = arith.cmpi sgt, %scan3A_85, %gt3A_160 : i32
      %convert_element_type3A_162 = arith.extui %gt3A_161 : i1 to i32
      %cond3A_163 = arith.constant 0 : i32
      %cond3A_164 = arith.cmpi ne, %convert_element_type3A_162, %cond3A_163 : i32
      scf.if %cond3A_164 {
        %dma_wait3A_187 = arith.constant 1 : i32
        %dma_wait3A_188 = arith.constant 0 : i32
        %dma_wait3A_189 = tpu.memref_slice %arg16[%dma_wait3A_187, %dma_wait3A_188] : memref<2x4096xf32, #tpu.memory_space<vmem>> -> memref<1x4096xf32, #tpu.memory_space<vmem>>
        %dma_wait3A_190 = tpu.memref_squeeze %dma_wait3A_189 : memref<1x4096xf32, #tpu.memory_space<vmem>> -> memref<4096xf32, #tpu.memory_space<vmem>>
        %dma_wait3A_191 = arith.constant 0 : i32
        %dma_wait3A_192 = tpu.memref_slice %arg7[%dma_wait3A_191] : memref<1048576xf32, #tpu.memory_space<hbm>> -> memref<4096xf32, #tpu.memory_space<hbm>>
        %dma_wait3A_193 = arith.constant 0 : i32
        %dma_wait3A_194 = tpu.memref_slice %arg7[%dma_wait3A_193] : memref<1048576xf32, #tpu.memory_space<hbm>> -> memref<4096xf32, #tpu.memory_space<hbm>>
        %dma_wait3A_195 = arith.constant 0 : i32
        %dma_wait3A_196 = tpu.memref_slice %arg16[%dma_wait3A_187, %dma_wait3A_195] : memref<2x4096xf32, #tpu.memory_space<vmem>> -> memref<1x4096xf32, #tpu.memory_space<vmem>>
        %dma_wait3A_197 = tpu.memref_squeeze %dma_wait3A_196 : memref<1x4096xf32, #tpu.memory_space<vmem>> -> memref<4096xf32, #tpu.memory_space<vmem>>
        tpu.wait_dma2 semaphore(%arg22 : memref<!tpu.dma_semaphore, #tpu.memory_space<semaphore_mem>>) src(%dma_wait3A_197 : memref<4096xf32, #tpu.memory_space<vmem>>) dst(%dma_wait3A_194 : memref<4096xf32, #tpu.memory_space<hbm>>)
      } else {
      }
      %parallel_loop3A_165 = arith.constant 0 : i32
      %parallel_loop3A_166 = arith.constant 32 : i32
      %parallel_loop3A_167 = arith.constant 1 : i32
      scf.for %parallel_loop3A_187 = %parallel_loop3A_165 to %parallel_loop3A_166 step %parallel_loop3A_167  : i32 {
        %parallel_loop3A_188 = arith.constant 16 : i32
        %parallel_loop3A_189 = arith.muli %parallel_loop3A_187, %parallel_loop3A_188 : i32
        %parallel_loop3A_190 = arith.index_cast %parallel_loop3A_189 : i32 to index
        %parallel_loop3A_191 = tpu.vector_load %arg12[%parallel_loop3A_190] {strides = array<i32>} : memref<512xf32, #tpu.memory_space<vmem>>, vector<16xf32>,
        %parallel_loop3A_192 = arith.index_cast %parallel_loop3A_189 : i32 to index
        %parallel_loop3A_193 = tpu.vector_load %arg13[%parallel_loop3A_192] {strides = array<i32>} : memref<512xf32, #tpu.memory_space<vmem>>, vector<16xf32>,
        %parallel_loop3A_194 = arith.constant 8 : i32
        %parallel_loop3A_195 = arith.divsi %parallel_loop3A_187, %parallel_loop3A_194 : i32
        %parallel_loop3A_196 = arith.constant 0 : i32
        %parallel_loop3A_197 = arith.cmpi sgt, %parallel_loop3A_187, %parallel_loop3A_196 : i32
        %parallel_loop3A_198 = arith.extui %parallel_loop3A_197 : i1 to i32
        %parallel_loop3A_199 = arith.constant 0 : i32
        %parallel_loop3A_200 = arith.cmpi slt, %parallel_loop3A_187, %parallel_loop3A_199 : i32
        %parallel_loop3A_201 = arith.extui %parallel_loop3A_200 : i1 to i32
        %parallel_loop3A_202 = arith.subi %parallel_loop3A_198, %parallel_loop3A_201 : i32
        %parallel_loop3A_203 = arith.constant 0 : i32
        %parallel_loop3A_204 = arith.cmpi sgt, %parallel_loop3A_194, %parallel_loop3A_203 : i32
        %parallel_loop3A_205 = arith.extui %parallel_loop3A_204 : i1 to i32
        %parallel_loop3A_206 = arith.constant 0 : i32
        %parallel_loop3A_207 = arith.cmpi slt, %parallel_loop3A_194, %parallel_loop3A_206 : i32
        %parallel_loop3A_208 = arith.extui %parallel_loop3A_207 : i1 to i32
        %parallel_loop3A_209 = arith.subi %parallel_loop3A_205, %parallel_loop3A_208 : i32
        %parallel_loop3A_210 = arith.cmpi ne, %parallel_loop3A_202, %parallel_loop3A_209 : i32
        %parallel_loop3A_211 = arith.remsi %parallel_loop3A_187, %parallel_loop3A_194 : i32
        %parallel_loop3A_212 = arith.constant 0 : i32
        %parallel_loop3A_213 = arith.cmpi ne, %parallel_loop3A_211, %parallel_loop3A_212 : i32
        %parallel_loop3A_214 = arith.andi %parallel_loop3A_210, %parallel_loop3A_213 : i1
        %parallel_loop3A_215 = arith.constant 1 : i32
        %parallel_loop3A_216 = arith.subi %parallel_loop3A_195, %parallel_loop3A_215 : i32
        %parallel_loop3A_217 = arith.select %parallel_loop3A_214, %parallel_loop3A_216, %parallel_loop3A_195 : i32
        %parallel_loop3A_218 = arith.constant 8 : i32
        %parallel_loop3A_219 = arith.constant 0 : i32
        %parallel_loop3A_220 = arith.cmpi eq, %parallel_loop3A_218, %parallel_loop3A_219 : i32
        %parallel_loop3A_221 = arith.constant 1 : i32
        %parallel_loop3A_222 = arith.select %parallel_loop3A_220, %parallel_loop3A_221, %parallel_loop3A_218 : i32
        %parallel_loop3A_223 = arith.remsi %parallel_loop3A_187, %parallel_loop3A_222 : i32
        %parallel_loop3A_224 = arith.constant 0 : i32
        %parallel_loop3A_225 = arith.cmpi ne, %parallel_loop3A_223, %parallel_loop3A_224 : i32
        %parallel_loop3A_226 = arith.constant 0 : i32
        %parallel_loop3A_227 = arith.cmpi slt, %parallel_loop3A_223, %parallel_loop3A_226 : i32
        %parallel_loop3A_228 = arith.constant 0 : i32
        %parallel_loop3A_229 = arith.cmpi slt, %parallel_loop3A_222, %parallel_loop3A_228 : i32
        %parallel_loop3A_230 = arith.xori %parallel_loop3A_227, %parallel_loop3A_229 : i1
        %parallel_loop3A_231 = arith.andi %parallel_loop3A_230, %parallel_loop3A_225 : i1
        %parallel_loop3A_232 = arith.addi %parallel_loop3A_223, %parallel_loop3A_222 : i32
        %parallel_loop3A_233 = arith.select %parallel_loop3A_231, %parallel_loop3A_232, %parallel_loop3A_223 : i32
        %parallel_loop3A_234 = arith.constant 16 : i32
        %parallel_loop3A_235 = arith.muli %parallel_loop3A_233, %parallel_loop3A_234 : i32
        %parallel_loop3A_236 = arith.constant 1024 : i32
        %parallel_loop3A_237 = arith.muli %parallel_loop3A_217, %parallel_loop3A_236 : i32
        %parallel_loop3A_238 = arith.constant 0 : i32
        %parallel_loop3A_239 = arith.addi %parallel_loop3A_237, %parallel_loop3A_238 : i32
        %parallel_loop3A_240 = arith.addi %parallel_loop3A_239, %parallel_loop3A_235 : i32
        %parallel_loop3A_241 = arith.constant 1 : i32
        %parallel_loop3A_242 = arith.index_cast %parallel_loop3A_241 : i32 to index
        %parallel_loop3A_243 = arith.index_cast %parallel_loop3A_240 : i32 to index
        %parallel_loop3A_244 = tpu.vector_load %arg14[%parallel_loop3A_242, %parallel_loop3A_243] {strides = array<i32>} : memref<2x4096xf32, #tpu.memory_space<vmem>>, vector<16xf32>,
        %parallel_loop3A_245 = arith.mulf %parallel_loop3A_191, %parallel_loop3A_244 : vector<16xf32>
        %parallel_loop3A_246 = arith.constant 1 : i32
        %parallel_loop3A_247 = arith.index_cast %parallel_loop3A_246 : i32 to index
        %parallel_loop3A_248 = arith.index_cast %parallel_loop3A_240 : i32 to index
        %parallel_loop3A_249 = tpu.vector_load %arg15[%parallel_loop3A_247, %parallel_loop3A_248] {strides = array<i32>} : memref<2x4096xf32, #tpu.memory_space<vmem>>, vector<16xf32>,
        %parallel_loop3A_250 = arith.mulf %parallel_loop3A_193, %parallel_loop3A_249 : vector<16xf32>
        %parallel_loop3A_251 = arith.addf %parallel_loop3A_245, %parallel_loop3A_250 : vector<16xf32>
        %parallel_loop3A_252 = arith.constant 1 : i32
        %parallel_loop3A_253 = arith.index_cast %parallel_loop3A_252 : i32 to index
        %parallel_loop3A_254 = arith.index_cast %parallel_loop3A_240 : i32 to index
        %parallel_loop3A_255 = tpu.vector_load %arg16[%parallel_loop3A_253, %parallel_loop3A_254] {strides = array<i32>} : memref<2x4096xf32, #tpu.memory_space<vmem>>, vector<16xf32>,
        tpu.vector_store %arg16[%parallel_loop3A_253, %parallel_loop3A_254], %parallel_loop3A_251 {strides = array<i32>} : memref<2x4096xf32, #tpu.memory_space<vmem>>, vector<16xf32>,
        %parallel_loop3A_256 = arith.constant 1024 : i32
        %parallel_loop3A_257 = arith.muli %parallel_loop3A_217, %parallel_loop3A_256 : i32
        %parallel_loop3A_258 = arith.constant 128 : i32
        %parallel_loop3A_259 = arith.addi %parallel_loop3A_257, %parallel_loop3A_258 : i32
        %parallel_loop3A_260 = arith.addi %parallel_loop3A_259, %parallel_loop3A_235 : i32
        %parallel_loop3A_261 = arith.constant 1 : i32
        %parallel_loop3A_262 = arith.index_cast %parallel_loop3A_261 : i32 to index
        %parallel_loop3A_263 = arith.index_cast %parallel_loop3A_260 : i32 to index
        %parallel_loop3A_264 = tpu.vector_load %arg14[%parallel_loop3A_262, %parallel_loop3A_263] {strides = array<i32>} : memref<2x4096xf32, #tpu.memory_space<vmem>>, vector<16xf32>,
        %parallel_loop3A_265 = arith.mulf %parallel_loop3A_191, %parallel_loop3A_264 : vector<16xf32>
        %parallel_loop3A_266 = arith.constant 1 : i32
        %parallel_loop3A_267 = arith.index_cast %parallel_loop3A_266 : i32 to index
        %parallel_loop3A_268 = arith.index_cast %parallel_loop3A_260 : i32 to index
        %parallel_loop3A_269 = tpu.vector_load %arg15[%parallel_loop3A_267, %parallel_loop3A_268] {strides = array<i32>} : memref<2x4096xf32, #tpu.memory_space<vmem>>, vector<16xf32>,
        %parallel_loop3A_270 = arith.mulf %parallel_loop3A_193, %parallel_loop3A_269 : vector<16xf32>
        %parallel_loop3A_271 = arith.addf %parallel_loop3A_265, %parallel_loop3A_270 : vector<16xf32>
        %parallel_loop3A_272 = arith.constant 1 : i32
        %parallel_loop3A_273 = arith.index_cast %parallel_loop3A_272 : i32 to index
        %parallel_loop3A_274 = arith.index_cast %parallel_loop3A_260 : i32 to index
        %parallel_loop3A_275 = tpu.vector_load %arg16[%parallel_loop3A_273, %parallel_loop3A_274] {strides = array<i32>} : memref<2x4096xf32, #tpu.memory_space<vmem>>, vector<16xf32>,
        tpu.vector_store %arg16[%parallel_loop3A_273, %parallel_loop3A_274], %parallel_loop3A_271 {strides = array<i32>} : memref<2x4096xf32, #tpu.memory_space<vmem>>, vector<16xf32>,
        %parallel_loop3A_276 = arith.constant 1024 : i32
        %parallel_loop3A_277 = arith.muli %parallel_loop3A_217, %parallel_loop3A_276 : i32
        %parallel_loop3A_278 = arith.constant 256 : i32
        %parallel_loop3A_279 = arith.addi %parallel_loop3A_277, %parallel_loop3A_278 : i32
        %parallel_loop3A_280 = arith.addi %parallel_loop3A_279, %parallel_loop3A_235 : i32
        %parallel_loop3A_281 = arith.constant 1 : i32
        %parallel_loop3A_282 = arith.index_cast %parallel_loop3A_281 : i32 to index
        %parallel_loop3A_283 = arith.index_cast %parallel_loop3A_280 : i32 to index
        %parallel_loop3A_284 = tpu.vector_load %arg14[%parallel_loop3A_282, %parallel_loop3A_283] {strides = array<i32>} : memref<2x4096xf32, #tpu.memory_space<vmem>>, vector<16xf32>,
        %parallel_loop3A_285 = arith.mulf %parallel_loop3A_191, %parallel_loop3A_284 : vector<16xf32>
        %parallel_loop3A_286 = arith.constant 1 : i32
        %parallel_loop3A_287 = arith.index_cast %parallel_loop3A_286 : i32 to index
        %parallel_loop3A_288 = arith.index_cast %parallel_loop3A_280 : i32 to index
        %parallel_loop3A_289 = tpu.vector_load %arg15[%parallel_loop3A_287, %parallel_loop3A_288] {strides = array<i32>} : memref<2x4096xf32, #tpu.memory_space<vmem>>, vector<16xf32>,
        %parallel_loop3A_290 = arith.mulf %parallel_loop3A_193, %parallel_loop3A_289 : vector<16xf32>
        %parallel_loop3A_291 = arith.addf %parallel_loop3A_285, %parallel_loop3A_290 : vector<16xf32>
        %parallel_loop3A_292 = arith.constant 1 : i32
        %parallel_loop3A_293 = arith.index_cast %parallel_loop3A_292 : i32 to index
        %parallel_loop3A_294 = arith.index_cast %parallel_loop3A_280 : i32 to index
        %parallel_loop3A_295 = tpu.vector_load %arg16[%parallel_loop3A_293, %parallel_loop3A_294] {strides = array<i32>} : memref<2x4096xf32, #tpu.memory_space<vmem>>, vector<16xf32>,
        tpu.vector_store %arg16[%parallel_loop3A_293, %parallel_loop3A_294], %parallel_loop3A_291 {strides = array<i32>} : memref<2x4096xf32, #tpu.memory_space<vmem>>, vector<16xf32>,
        %parallel_loop3A_296 = arith.constant 1024 : i32
        %parallel_loop3A_297 = arith.muli %parallel_loop3A_217, %parallel_loop3A_296 : i32
        %parallel_loop3A_298 = arith.constant 384 : i32
        %parallel_loop3A_299 = arith.addi %parallel_loop3A_297, %parallel_loop3A_298 : i32
        %parallel_loop3A_300 = arith.addi %parallel_loop3A_299, %parallel_loop3A_235 : i32
        %parallel_loop3A_301 = arith.constant 1 : i32
        %parallel_loop3A_302 = arith.index_cast %parallel_loop3A_301 : i32 to index
        %parallel_loop3A_303 = arith.index_cast %parallel_loop3A_300 : i32 to index
        %parallel_loop3A_304 = tpu.vector_load %arg14[%parallel_loop3A_302, %parallel_loop3A_303] {strides = array<i32>} : memref<2x4096xf32, #tpu.memory_space<vmem>>, vector<16xf32>,
        %parallel_loop3A_305 = arith.mulf %parallel_loop3A_191, %parallel_loop3A_304 : vector<16xf32>
        %parallel_loop3A_306 = arith.constant 1 : i32
        %parallel_loop3A_307 = arith.index_cast %parallel_loop3A_306 : i32 to index
        %parallel_loop3A_308 = arith.index_cast %parallel_loop3A_300 : i32 to index
        %parallel_loop3A_309 = tpu.vector_load %arg15[%parallel_loop3A_307, %parallel_loop3A_308] {strides = array<i32>} : memref<2x4096xf32, #tpu.memory_space<vmem>>, vector<16xf32>,
        %parallel_loop3A_310 = arith.mulf %parallel_loop3A_193, %parallel_loop3A_309 : vector<16xf32>
        %parallel_loop3A_311 = arith.addf %parallel_loop3A_305, %parallel_loop3A_310 : vector<16xf32>
        %parallel_loop3A_312 = arith.constant 1 : i32
        %parallel_loop3A_313 = arith.index_cast %parallel_loop3A_312 : i32 to index
        %parallel_loop3A_314 = arith.index_cast %parallel_loop3A_300 : i32 to index
        %parallel_loop3A_315 = tpu.vector_load %arg16[%parallel_loop3A_313, %parallel_loop3A_314] {strides = array<i32>} : memref<2x4096xf32, #tpu.memory_space<vmem>>, vector<16xf32>,
        tpu.vector_store %arg16[%parallel_loop3A_313, %parallel_loop3A_314], %parallel_loop3A_311 {strides = array<i32>} : memref<2x4096xf32, #tpu.memory_space<vmem>>, vector<16xf32>,
        %parallel_loop3A_316 = arith.constant 1024 : i32
        %parallel_loop3A_317 = arith.muli %parallel_loop3A_217, %parallel_loop3A_316 : i32
        %parallel_loop3A_318 = arith.constant 512 : i32
        %parallel_loop3A_319 = arith.addi %parallel_loop3A_317, %parallel_loop3A_318 : i32
        %parallel_loop3A_320 = arith.addi %parallel_loop3A_319, %parallel_loop3A_235 : i32
        %parallel_loop3A_321 = arith.constant 1 : i32
        %parallel_loop3A_322 = arith.index_cast %parallel_loop3A_321 : i32 to index
        %parallel_loop3A_323 = arith.index_cast %parallel_loop3A_320 : i32 to index
        %parallel_loop3A_324 = tpu.vector_load %arg14[%parallel_loop3A_322, %parallel_loop3A_323] {strides = array<i32>} : memref<2x4096xf32, #tpu.memory_space<vmem>>, vector<16xf32>,
        %parallel_loop3A_325 = arith.mulf %parallel_loop3A_191, %parallel_loop3A_324 : vector<16xf32>
        %parallel_loop3A_326 = arith.constant 1 : i32
        %parallel_loop3A_327 = arith.index_cast %parallel_loop3A_326 : i32 to index
        %parallel_loop3A_328 = arith.index_cast %parallel_loop3A_320 : i32 to index
        %parallel_loop3A_329 = tpu.vector_load %arg15[%parallel_loop3A_327, %parallel_loop3A_328] {strides = array<i32>} : memref<2x4096xf32, #tpu.memory_space<vmem>>, vector<16xf32>,
        %parallel_loop3A_330 = arith.mulf %parallel_loop3A_193, %parallel_loop3A_329 : vector<16xf32>
        %parallel_loop3A_331 = arith.addf %parallel_loop3A_325, %parallel_loop3A_330 : vector<16xf32>
        %parallel_loop3A_332 = arith.constant 1 : i32
        %parallel_loop3A_333 = arith.index_cast %parallel_loop3A_332 : i32 to index
        %parallel_loop3A_334 = arith.index_cast %parallel_loop3A_320 : i32 to index
        %parallel_loop3A_335 = tpu.vector_load %arg16[%parallel_loop3A_333, %parallel_loop3A_334] {strides = array<i32>} : memref<2x4096xf32, #tpu.memory_space<vmem>>, vector<16xf32>,
        tpu.vector_store %arg16[%parallel_loop3A_333, %parallel_loop3A_334], %parallel_loop3A_331 {strides = array<i32>} : memref<2x4096xf32, #tpu.memory_space<vmem>>, vector<16xf32>,
        %parallel_loop3A_336 = arith.constant 1024 : i32
        %parallel_loop3A_337 = arith.muli %parallel_loop3A_217, %parallel_loop3A_336 : i32
        %parallel_loop3A_338 = arith.constant 640 : i32
        %parallel_loop3A_339 = arith.addi %parallel_loop3A_337, %parallel_loop3A_338 : i32
        %parallel_loop3A_340 = arith.addi %parallel_loop3A_339, %parallel_loop3A_235 : i32
        %parallel_loop3A_341 = arith.constant 1 : i32
        %parallel_loop3A_342 = arith.index_cast %parallel_loop3A_341 : i32 to index
        %parallel_loop3A_343 = arith.index_cast %parallel_loop3A_340 : i32 to index
        %parallel_loop3A_344 = tpu.vector_load %arg14[%parallel_loop3A_342, %parallel_loop3A_343] {strides = array<i32>} : memref<2x4096xf32, #tpu.memory_space<vmem>>, vector<16xf32>,
        %parallel_loop3A_345 = arith.mulf %parallel_loop3A_191, %parallel_loop3A_344 : vector<16xf32>
        %parallel_loop3A_346 = arith.constant 1 : i32
        %parallel_loop3A_347 = arith.index_cast %parallel_loop3A_346 : i32 to index
        %parallel_loop3A_348 = arith.index_cast %parallel_loop3A_340 : i32 to index
        %parallel_loop3A_349 = tpu.vector_load %arg15[%parallel_loop3A_347, %parallel_loop3A_348] {strides = array<i32>} : memref<2x4096xf32, #tpu.memory_space<vmem>>, vector<16xf32>,
        %parallel_loop3A_350 = arith.mulf %parallel_loop3A_193, %parallel_loop3A_349 : vector<16xf32>
        %parallel_loop3A_351 = arith.addf %parallel_loop3A_345, %parallel_loop3A_350 : vector<16xf32>
        %parallel_loop3A_352 = arith.constant 1 : i32
        %parallel_loop3A_353 = arith.index_cast %parallel_loop3A_352 : i32 to index
        %parallel_loop3A_354 = arith.index_cast %parallel_loop3A_340 : i32 to index
        %parallel_loop3A_355 = tpu.vector_load %arg16[%parallel_loop3A_353, %parallel_loop3A_354] {strides = array<i32>} : memref<2x4096xf32, #tpu.memory_space<vmem>>, vector<16xf32>,
        tpu.vector_store %arg16[%parallel_loop3A_353, %parallel_loop3A_354], %parallel_loop3A_351 {strides = array<i32>} : memref<2x4096xf32, #tpu.memory_space<vmem>>, vector<16xf32>,
        %parallel_loop3A_356 = arith.constant 1024 : i32
        %parallel_loop3A_357 = arith.muli %parallel_loop3A_217, %parallel_loop3A_356 : i32
        %parallel_loop3A_358 = arith.constant 768 : i32
        %parallel_loop3A_359 = arith.addi %parallel_loop3A_357, %parallel_loop3A_358 : i32
        %parallel_loop3A_360 = arith.addi %parallel_loop3A_359, %parallel_loop3A_235 : i32
        %parallel_loop3A_361 = arith.constant 1 : i32
        %parallel_loop3A_362 = arith.index_cast %parallel_loop3A_361 : i32 to index
        %parallel_loop3A_363 = arith.index_cast %parallel_loop3A_360 : i32 to index
        %parallel_loop3A_364 = tpu.vector_load %arg14[%parallel_loop3A_362, %parallel_loop3A_363] {strides = array<i32>} : memref<2x4096xf32, #tpu.memory_space<vmem>>, vector<16xf32>,
        %parallel_loop3A_365 = arith.mulf %parallel_loop3A_191, %parallel_loop3A_364 : vector<16xf32>
        %parallel_loop3A_366 = arith.constant 1 : i32
        %parallel_loop3A_367 = arith.index_cast %parallel_loop3A_366 : i32 to index
        %parallel_loop3A_368 = arith.index_cast %parallel_loop3A_360 : i32 to index
        %parallel_loop3A_369 = tpu.vector_load %arg15[%parallel_loop3A_367, %parallel_loop3A_368] {strides = array<i32>} : memref<2x4096xf32, #tpu.memory_space<vmem>>, vector<16xf32>,
        %parallel_loop3A_370 = arith.mulf %parallel_loop3A_193, %parallel_loop3A_369 : vector<16xf32>
        %parallel_loop3A_371 = arith.addf %parallel_loop3A_365, %parallel_loop3A_370 : vector<16xf32>
        %parallel_loop3A_372 = arith.constant 1 : i32
        %parallel_loop3A_373 = arith.index_cast %parallel_loop3A_372 : i32 to index
        %parallel_loop3A_374 = arith.index_cast %parallel_loop3A_360 : i32 to index
        %parallel_loop3A_375 = tpu.vector_load %arg16[%parallel_loop3A_373, %parallel_loop3A_374] {strides = array<i32>} : memref<2x4096xf32, #tpu.memory_space<vmem>>, vector<16xf32>,
        tpu.vector_store %arg16[%parallel_loop3A_373, %parallel_loop3A_374], %parallel_loop3A_371 {strides = array<i32>} : memref<2x4096xf32, #tpu.memory_space<vmem>>, vector<16xf32>,
        %parallel_loop3A_376 = arith.constant 1024 : i32
        %parallel_loop3A_377 = arith.muli %parallel_loop3A_217, %parallel_loop3A_376 : i32
        %parallel_loop3A_378 = arith.constant 896 : i32
        %parallel_loop3A_379 = arith.addi %parallel_loop3A_377, %parallel_loop3A_378 : i32
        %parallel_loop3A_380 = arith.addi %parallel_loop3A_379, %parallel_loop3A_235 : i32
        %parallel_loop3A_381 = arith.constant 1 : i32
        %parallel_loop3A_382 = arith.index_cast %parallel_loop3A_381 : i32 to index
        %parallel_loop3A_383 = arith.index_cast %parallel_loop3A_380 : i32 to index
        %parallel_loop3A_384 = tpu.vector_load %arg14[%parallel_loop3A_382, %parallel_loop3A_383] {strides = array<i32>} : memref<2x4096xf32, #tpu.memory_space<vmem>>, vector<16xf32>,
        %parallel_loop3A_385 = arith.mulf %parallel_loop3A_191, %parallel_loop3A_384 : vector<16xf32>
        %parallel_loop3A_386 = arith.constant 1 : i32
        %parallel_loop3A_387 = arith.index_cast %parallel_loop3A_386 : i32 to index
        %parallel_loop3A_388 = arith.index_cast %parallel_loop3A_380 : i32 to index
        %parallel_loop3A_389 = tpu.vector_load %arg15[%parallel_loop3A_387, %parallel_loop3A_388] {strides = array<i32>} : memref<2x4096xf32, #tpu.memory_space<vmem>>, vector<16xf32>,
        %parallel_loop3A_390 = arith.mulf %parallel_loop3A_193, %parallel_loop3A_389 : vector<16xf32>
        %parallel_loop3A_391 = arith.addf %parallel_loop3A_385, %parallel_loop3A_390 : vector<16xf32>
        %parallel_loop3A_392 = arith.constant 1 : i32
        %parallel_loop3A_393 = arith.index_cast %parallel_loop3A_392 : i32 to index
        %parallel_loop3A_394 = arith.index_cast %parallel_loop3A_380 : i32 to index
        %parallel_loop3A_395 = tpu.vector_load %arg16[%parallel_loop3A_393, %parallel_loop3A_394] {strides = array<i32>} : memref<2x4096xf32, #tpu.memory_space<vmem>>, vector<16xf32>,
        tpu.vector_store %arg16[%parallel_loop3A_393, %parallel_loop3A_394], %parallel_loop3A_391 {strides = array<i32>} : memref<2x4096xf32, #tpu.memory_space<vmem>>, vector<16xf32>,
      } {sc.loop_unroll_factor = 2 : i64, sc.parallel_access}
      %mul3A_168 = arith.constant 131072 : i32
      %mul3A_169 = arith.muli %add3A_137, %mul3A_168 : i32
      %mul3A_170 = arith.constant 4096 : i32
      %mul3A_171 = arith.muli %add3A, %mul3A_170 : i32
      %add3A_172 = arith.addi %mul3A_169, %mul3A_171 : i32
      %dma_start3A_173 = arith.constant 1 : i32
      %dma_start3A_174 = arith.constant 0 : i32
      %dma_start3A_175 = tpu.memref_slice %arg16[%dma_start3A_173, %dma_start3A_174] : memref<2x4096xf32, #tpu.memory_space<vmem>> -> memref<1x4096xf32, #tpu.memory_space<vmem>>
      %dma_start3A_176 = tpu.memref_squeeze %dma_start3A_175 : memref<1x4096xf32, #tpu.memory_space<vmem>> -> memref<4096xf32, #tpu.memory_space<vmem>>
      %dma_start3A_177 = tpu.memref_slice %arg7[%add3A_172] : memref<1048576xf32, #tpu.memory_space<hbm>> -> memref<4096xf32, #tpu.memory_space<hbm>>
      %dma_start3A_178 = tpu.memref_slice %arg7[%add3A_172] : memref<1048576xf32, #tpu.memory_space<hbm>> -> memref<4096xf32, #tpu.memory_space<hbm>>
      %dma_start3A_179 = arith.constant 0 : i32
      %dma_start3A_180 = tpu.memref_slice %arg16[%dma_start3A_173, %dma_start3A_179] : memref<2x4096xf32, #tpu.memory_space<vmem>> -> memref<1x4096xf32, #tpu.memory_space<vmem>>
      %dma_start3A_181 = tpu.memref_squeeze %dma_start3A_180 : memref<1x4096xf32, #tpu.memory_space<vmem>> -> memref<4096xf32, #tpu.memory_space<vmem>>
      tpu.enqueue_dma source(%dma_start3A_181 : memref<4096xf32, #tpu.memory_space<vmem>>) target(%dma_start3A_178 : memref<4096xf32, #tpu.memory_space<hbm>>) target_semaphore(%arg22 : memref<!tpu.dma_semaphore, #tpu.memory_space<semaphore_mem>>)
      %lt3A_182 = arith.constant 3 : i32
      %lt3A_183 = arith.cmpi slt, %scan3A_85, %lt3A_182 : i32
      %convert_element_type3A_184 = arith.extui %lt3A_183 : i1 to i32
      %cond3A_185 = arith.constant 0 : i32
      %cond3A_186 = arith.cmpi ne, %convert_element_type3A_184, %cond3A_185 : i32
      scf.if %cond3A_186 {
        %add3A_187 = arith.constant 2 : i32
        %add3A_188 = arith.addi %add3A_137, %add3A_187 : i32
        %mul3A_189 = arith.constant 131072 : i32
        %mul3A_190 = arith.muli %add3A_188, %mul3A_189 : i32
        %mul3A_191 = arith.constant 4096 : i32
        %mul3A_192 = arith.muli %add3A, %mul3A_191 : i32
        %add3A_193 = arith.addi %mul3A_190, %mul3A_192 : i32
        %dma_start3A_194 = arith.constant 1 : i32
        %dma_start3A_195 = arith.constant 0 : i32
        %dma_start3A_196 = tpu.memref_slice %arg14[%dma_start3A_194, %dma_start3A_195] : memref<2x4096xf32, #tpu.memory_space<vmem>> -> memref<1x4096xf32, #tpu.memory_space<vmem>>
        %dma_start3A_197 = tpu.memref_squeeze %dma_start3A_196 : memref<1x4096xf32, #tpu.memory_space<vmem>> -> memref<4096xf32, #tpu.memory_space<vmem>>
        %dma_start3A_198 = tpu.memref_slice %arg2[%add3A_193] : memref<1048576xf32, #tpu.memory_space<hbm>> -> memref<4096xf32, #tpu.memory_space<hbm>>
        %dma_start3A_199 = arith.constant 0 : i32
        %dma_start3A_200 = tpu.memref_slice %arg14[%dma_start3A_194, %dma_start3A_199] : memref<2x4096xf32, #tpu.memory_space<vmem>> -> memref<1x4096xf32, #tpu.memory_space<vmem>>
        %dma_start3A_201 = tpu.memref_squeeze %dma_start3A_200 : memref<1x4096xf32, #tpu.memory_space<vmem>> -> memref<4096xf32, #tpu.memory_space<vmem>>
        %dma_start3A_202 = tpu.memref_slice %arg2[%add3A_193] : memref<1048576xf32, #tpu.memory_space<hbm>> -> memref<4096xf32, #tpu.memory_space<hbm>>
        tpu.enqueue_dma source(%dma_start3A_202 : memref<4096xf32, #tpu.memory_space<hbm>>) target(%dma_start3A_201 : memref<4096xf32, #tpu.memory_space<vmem>>) target_semaphore(%arg18 : memref<!tpu.dma_semaphore, #tpu.memory_space<semaphore_mem>>)
        %dma_start3A_203 = arith.constant 1 : i32
        %dma_start3A_204 = arith.constant 0 : i32
        %dma_start3A_205 = tpu.memref_slice %arg15[%dma_start3A_203, %dma_start3A_204] : memref<2x4096xf32, #tpu.memory_space<vmem>> -> memref<1x4096xf32, #tpu.memory_space<vmem>>
        %dma_start3A_206 = tpu.memref_squeeze %dma_start3A_205 : memref<1x4096xf32, #tpu.memory_space<vmem>> -> memref<4096xf32, #tpu.memory_space<vmem>>
        %dma_start3A_207 = tpu.memref_slice %arg6[%add3A_193] : memref<1048576xf32, #tpu.memory_space<hbm>> -> memref<4096xf32, #tpu.memory_space<hbm>>
        %dma_start3A_208 = arith.constant 0 : i32
        %dma_start3A_209 = tpu.memref_slice %arg15[%dma_start3A_203, %dma_start3A_208] : memref<2x4096xf32, #tpu.memory_space<vmem>> -> memref<1x4096xf32, #tpu.memory_space<vmem>>
        %dma_start3A_210 = tpu.memref_squeeze %dma_start3A_209 : memref<1x4096xf32, #tpu.memory_space<vmem>> -> memref<4096xf32, #tpu.memory_space<vmem>>
        %dma_start3A_211 = tpu.memref_slice %arg6[%add3A_193] : memref<1048576xf32, #tpu.memory_space<hbm>> -> memref<4096xf32, #tpu.memory_space<hbm>>
        tpu.enqueue_dma source(%dma_start3A_211 : memref<4096xf32, #tpu.memory_space<hbm>>) target(%dma_start3A_210 : memref<4096xf32, #tpu.memory_space<vmem>>) target_semaphore(%arg20 : memref<!tpu.dma_semaphore, #tpu.memory_space<semaphore_mem>>)
      } else {
      }
    }
    %scan3A_60 = arith.constant 4 : i32
    %dma_wait3A_61 = tpu.memref_slice %arg8[%mul3A_2] : memref<16384xi32, #tpu.memory_space<hbm>> -> memref<512xi32, #tpu.memory_space<hbm>>
    %dma_wait3A_62 = tpu.memref_slice %arg8[%mul3A_2] : memref<16384xi32, #tpu.memory_space<hbm>> -> memref<512xi32, #tpu.memory_space<hbm>>
    tpu.wait_dma2 semaphore(%arg23 : memref<!tpu.dma_semaphore, #tpu.memory_space<semaphore_mem>>) src(%arg9 : memref<512xi32, #tpu.memory_space<vmem>>) dst(%dma_wait3A_62 : memref<512xi32, #tpu.memory_space<hbm>>)
    %dma_wait3A_63 = arith.constant 0 : i32
    %dma_wait3A_64 = arith.constant 0 : i32
    %dma_wait3A_65 = tpu.memref_slice %arg16[%dma_wait3A_63, %dma_wait3A_64] : memref<2x4096xf32, #tpu.memory_space<vmem>> -> memref<1x4096xf32, #tpu.memory_space<vmem>>
    %dma_wait3A_66 = tpu.memref_squeeze %dma_wait3A_65 : memref<1x4096xf32, #tpu.memory_space<vmem>> -> memref<4096xf32, #tpu.memory_space<vmem>>
    %dma_wait3A_67 = arith.constant 0 : i32
    %dma_wait3A_68 = tpu.memref_slice %arg7[%dma_wait3A_67] : memref<1048576xf32, #tpu.memory_space<hbm>> -> memref<4096xf32, #tpu.memory_space<hbm>>
    %dma_wait3A_69 = arith.constant 0 : i32
    %dma_wait3A_70 = tpu.memref_slice %arg7[%dma_wait3A_69] : memref<1048576xf32, #tpu.memory_space<hbm>> -> memref<4096xf32, #tpu.memory_space<hbm>>
    %dma_wait3A_71 = arith.constant 0 : i32
    %dma_wait3A_72 = tpu.memref_slice %arg16[%dma_wait3A_63, %dma_wait3A_71] : memref<2x4096xf32, #tpu.memory_space<vmem>> -> memref<1x4096xf32, #tpu.memory_space<vmem>>
    %dma_wait3A_73 = tpu.memref_squeeze %dma_wait3A_72 : memref<1x4096xf32, #tpu.memory_space<vmem>> -> memref<4096xf32, #tpu.memory_space<vmem>>
    tpu.wait_dma2 semaphore(%arg21 : memref<!tpu.dma_semaphore, #tpu.memory_space<semaphore_mem>>) src(%dma_wait3A_73 : memref<4096xf32, #tpu.memory_space<vmem>>) dst(%dma_wait3A_70 : memref<4096xf32, #tpu.memory_space<hbm>>)
    %dma_wait3A_74 = arith.constant 1 : i32
    %dma_wait3A_75 = arith.constant 0 : i32
    %dma_wait3A_76 = tpu.memref_slice %arg16[%dma_wait3A_74, %dma_wait3A_75] : memref<2x4096xf32, #tpu.memory_space<vmem>> -> memref<1x4096xf32, #tpu.memory_space<vmem>>
    %dma_wait3A_77 = tpu.memref_squeeze %dma_wait3A_76 : memref<1x4096xf32, #tpu.memory_space<vmem>> -> memref<4096xf32, #tpu.memory_space<vmem>>
    %dma_wait3A_78 = arith.constant 0 : i32
    %dma_wait3A_79 = tpu.memref_slice %arg7[%dma_wait3A_78] : memref<1048576xf32, #tpu.memory_space<hbm>> -> memref<4096xf32, #tpu.memory_space<hbm>>
    %dma_wait3A_80 = arith.constant 0 : i32
    %dma_wait3A_81 = tpu.memref_slice %arg7[%dma_wait3A_80] : memref<1048576xf32, #tpu.memory_space<hbm>> -> memref<4096xf32, #tpu.memory_space<hbm>>
    %dma_wait3A_82 = arith.constant 0 : i32
    %dma_wait3A_83 = tpu.memref_slice %arg16[%dma_wait3A_74, %dma_wait3A_82] : memref<2x4096xf32, #tpu.memory_space<vmem>> -> memref<1x4096xf32, #tpu.memory_space<vmem>>
    %dma_wait3A_84 = tpu.memref_squeeze %dma_wait3A_83 : memref<1x4096xf32, #tpu.memory_space<vmem>> -> memref<4096xf32, #tpu.memory_space<vmem>>
    tpu.wait_dma2 semaphore(%arg22 : memref<!tpu.dma_semaphore, #tpu.memory_space<semaphore_mem>>) src(%dma_wait3A_84 : memref<4096xf32, #tpu.memory_space<vmem>>) dst(%dma_wait3A_81 : memref<4096xf32, #tpu.memory_space<hbm>>)
    return
  }
}

</mosaic_0001>

<sc_bundles>
// kernel: kernel.3.cloned.1.call-start
scs
__scs_entry_jumppad:
0x0: {  	(pc) =	sbr.rel $0x88, $3  }
0x1: {  	(tag) =	ssettag $0x0;
	lr =	simm.s32 $0x1  }
0x2: {  	[smem:$0x3F9C] =	sst lr;
	_ =	strace $0xD0000000  }
0x3: {  	_ = 	snop  }
0x4: {  	_ = 	snop  }
0x5: {  	_ = 	snop  }
0x6: {  	_ = 	snop  }
0x7: {  	_ = 	snop  }
__scs_overlays_trampoline_lowered:
0x8: {  	[smem:$0x3FAB] =	sst s0  }
0x9: {  	[smem:$0x3FAC] =	sst s1  }
0xa: {  	[smem:$0x3FAD] =	sst s2  }
0xb: {  	[smem:$0x3FAE] =	sst s3  }
0xc: {  	[smem:$0x3FAF] =	sst s4  }
0xd: {  	[smem:$0x3FB0] =	sst s5  }
0xe: {  	[smem:$0x3FB1] =	sst s6  }
0xf: {  	[smem:$0x3FB2] =	sst s7  }
0x10: {  	[smem:$0x3FB3] =	sst s8  }
0x11: {  	[smem:$0x3FB4] =	sst s9;
	s0 =	simm.s32 @!p0 $0x0  }
0x12: {  	s1 =	sld [smem:$0x3F9A];
	s0 =	simm.s32 @p0 $0x1  }
0x13: {  	[smem:$0x3FB5] =	sst s0;
	s0 =	simm.s32 @!p1 $0x0  }
0x14: {  	s2 =	sld [smem:$0x3F99];
	s0 =	simm.s32 @p1 $0x1  }
0x15: {  	[smem:$0x3FB6] =	sst s0;
	s0 =	simm.s32 @!p2 $0x0  }
0x16: {  	s3 =	sld [smem:$0x3FDB];
	s0 =	simm.s32 @p2 $0x1  }
0x17: {  	s4 =	simm.s32 $0x1BF5;
	[smem:$0x3FB8] =	sst s0  }
0x18: {  	s0 =	sld [smem:$0x3F9B];
	_ =	swait.ge [sflag:s4], $0x0  }
0x19: {  	s7 =	sld [smem:$0x3F9C]  }
0x1a: {  	s8 =	sadd.s32 $0xFFFFE003, lr  }
0x1b: {  	s9 =	sadd.s32 $0xFFFFFEF7, lr;
	s5 =	simm.s32 $0xFFFFFFFF;
	p2 =	slt.u32 s8, $0xFFFFF086  }
0x1c: {  	p1 =	slt.u32 s9, $0xF7A;
	s5 =	simm.s32 @!p2 $0x0  }
0x1d: {  	s5 =	simm.s32 @p1 $0x1;
	p0 =	seq.s32 s7, s2  }
0x1e: {  	s7 =	smul.u32 @!p0 $0xF7A, s2;
	p2 =	seq.s32 @!p0 s5, $0x0  }
0x1f: {  	s9 =	smul.u32 $0xF7A, s1;
	s8 =	simm.s32 @!p0 $0x1BF5;
	p2 =	por !p2, p0  }
0x20: {  	[sflag:s8] =	ssyncset.s32 @!p0 $0xFFFFF086;
	s6 =	sadd.s32 @!p0 s3, s7;
	s7 =	simm.s32 @!p0 $0x108  }
0x21: {  	s3 =	sadd.s32 s3, s9;
	s6 =	sadd.s32 @!p0 $0x88, s6;
	s7 =	simm.s32 @p2 $0x1082  }
0x22: {  	[simem:s7], [sflag:s8] =	dma.local @!p0 [hbm:s6], $0xF7A  }
0x23: {  	s9 =	sor.u32 $0xD0000000, s2;
	s6 =	simm.s32 $0x108;
	_ =	swait.ge @!p0 [sflag:s8], $0x0  }
0x24: {  	s3 =	sadd.s32 $0x88, s3;
	s6 =	simm.s32 @!p1 $0x1082;
	[sflag:s4] =	ssyncset.s32 $0xFFFFF086  }
0x25: {  	[simem:s6], [sflag:s4] =	dma.local [hbm:s3], $0xF7A  }
0x26: {  	[smem:$0x3F9C] =	sst s1;
	(tag) =	ssettag s2;
	_ =	strace s9  }
0x27: {  	s1 =	sld [smem:$0x3FAC]  }
0x28: {  	s2 =	sld [smem:$0x3FAD]  }
0x29: {  	s4 =	sld [smem:$0x3FAF]  }
0x2a: {  	p0 =	seq.s32 s5, $0x0;
	s5 =	sld [smem:$0x3FB0]  }
0x2b: {  	s6 =	sld [smem:$0x3FB1]  }
0x2c: {  	s7 =	sld [smem:$0x3FB2]  }
0x2d: {  	s3 =	simm.s32 $0x108;
	s8 =	sld [smem:$0x3FB3]  }
0x2e: {  	s3 =	simm.s32 @!p0 $0x1082;
	s9 =	sld [smem:$0x3FB4]  }
0x2f: {  	lr =	sadd.s32 s0, s3;
	s0 =	sld [smem:$0x3FAB]  }
0x30: {  	s3 =	sld [smem:$0x3FAE]  }
0x31: {  	[smem:$0x3FB7] =	sst s10  }
0x32: {  	s10 =	sld [smem:$0x3FB5];
	_ =	sdelay $0x3  }
0x33: {  	p0 =	seq.s32 s10, $0x1;
	s10 =	sld [smem:$0x3FB7];
	_ =	sdelay $0x3  }
0x34: {  	[smem:$0x3FB7] =	sst s10  }
0x35: {  	s10 =	sld [smem:$0x3FB6];
	_ =	sdelay $0x3  }
0x36: {  	p1 =	seq.s32 s10, $0x1;
	s10 =	sld [smem:$0x3FB7];
	_ =	sdelay $0x3  }
0x37: {  	[smem:$0x3FB7] =	sst s10  }
0x38: {  	s10 =	sld [smem:$0x3FB8]  }
0x39: {  	_ = 	snop;
	(pc) =	sbr.ind lr, $3  }
0x3a: {  	_ = 	snop  }
0x3b: {  	_ = 	snop  }
0x3c: {  	p2 =	seq.s32 s10, $0x1;
	s10 =	sld [smem:$0x3FB7]  }
0x3d: {  	_ =	shalt  }
0x3e: {  	_ =	shalt  }
0x3f: {  	_ =	shalt  }
0x40: {  	_ =	shalt  }
0x41: {  	_ =	shalt  }
0x42: {  	_ =	shalt  }
0x43: {  	_ =	shalt  }
0x44: {  	_ =	shalt  }
0x45: {  	_ =	shalt  }
0x46: {  	_ =	shalt  }
0x47: {  	_ =	shalt  }
0x48: {  	_ =	shalt  }
0x49: {  	_ =	shalt  }
0x4a: {  	_ =	shalt  }
0x4b: {  	_ =	shalt  }
0x4c: {  	_ =	shalt  }
0x4d: {  	_ =	shalt  }
0x4e: {  	_ =	shalt  }
0x4f: {  	_ =	shalt  }
0x50: {  	_ =	shalt  }
0x51: {  	_ =	shalt  }
0x52: {  	_ =	shalt  }
0x53: {  	_ =	shalt  }
0x54: {  	_ =	shalt  }
0x55: {  	_ =	shalt  }
0x56: {  	_ =	shalt  }
0x57: {  	_ =	shalt  }
0x58: {  	_ =	shalt  }
0x59: {  	_ =	shalt  }
0x5a: {  	_ =	shalt  }
0x5b: {  	_ =	shalt  }
0x5c: {  	_ =	shalt  }
0x5d: {  	_ =	shalt  }
0x5e: {  	_ =	shalt  }
0x5f: {  	_ =	shalt  }
0x60: {  	_ =	shalt  }
0x61: {  	_ =	shalt  }
0x62: {  	_ =	shalt  }
0x63: {  	_ =	shalt  }
0x64: {  	_ =	shalt  }
0x65: {  	_ =	shalt  }
0x66: {  	_ =	shalt  }
0x67: {  	_ =	shalt  }
0x68: {  	_ =	shalt  }
0x69: {  	_ =	shalt  }
0x6a: {  	_ =	shalt  }
0x6b: {  	_ =	shalt  }
0x6c: {  	_ =	shalt  }
0x6d: {  	_ =	shalt  }
0x6e: {  	_ =	shalt  }
0x6f: {  	_ =	shalt  }
0x70: {  	_ =	shalt  }
0x71: {  	_ =	shalt  }
0x72: {  	_ =	shalt  }
0x73: {  	_ =	shalt  }
0x74: {  	_ =	shalt  }
0x75: {  	_ =	shalt  }
0x76: {  	_ =	shalt  }
0x77: {  	_ =	shalt  }
0x78: {  	_ =	shalt  }
0x79: {  	_ =	shalt  }
0x7a: {  	_ =	shalt  }
0x7b: {  	_ =	shalt  }
0x7c: {  	_ =	shalt  }
0x7d: {  	_ =	shalt  }
0x7e: {  	_ =	shalt  }
0x7f: {  	_ =	shalt  }
0x80: {  	_ =	shalt  }
0x81: {  	_ =	shalt  }
0x82: {  	_ =	shalt  }
0x83: {  	_ =	shalt  }
0x84: {  	_ =	shalt  }
0x85: {  	_ =	shalt  }
0x86: {  	_ =	shalt  }
0x87: {  	_ =	shalt  }
.Lfunc_end0:
.L_simem_size_0:
called_computation_lowered:
.L_overlay_start_0:
0x88: {  	s2 =	sld [smem:$0x3FD9]  }
0x89: {  	s3 =	sld [smem:$0x3FFE];
	_ =	sdelay $0x1  }
0x8a: {  	s1 =	srdreg.scid  }
0x8b: {  	s0 =	sand.u32 $0x1, s1  }
0x8c: {  	s15 =	sshll.u32 s0, $0xA;
	s2 =	sadd.s32 s3, s2  }
0x8d: {  	s2 =	sadd.s32 s2, s15  }
0x8e: {  	[smem:$0x3FC3] =	sst s2  }
0x8f: {  	_ = 	snop  }
0x90: {  	s2 =	sld [smem:$0x3FC9]  }
0x91: {  	s16 =	sld [smem:$0x3FC8]  }
0x92: {  	s4 =	sld [smem:$0x3FD0]  }
0x93: {  	s5 =	sld [smem:$0x3FC7]  }
0x94: {  	s6 =	sld [smem:$0x3FC6]  }
0x95: {  	s8 =	simm.s32 $0xA;
	s9 =	simm.s32 $0x10;
	s7 =	sld [smem:$0x3FC5]  }
0x96: {  	[smem:s9], [sflag:s8] =	dma.local [hbm:s4], $0x1  }
0x97: {  	_ =	swait.eq [sflag:s8], $0x1  }
0x98: {  	[sflag:s8] =	ssyncset.done $0x0  }
0x99: {  	s17 =	sld [smem:$0x10];
	[sflag:s8] =	ssyncadd.s32 $0xFFFFFFFF  }
0x9a: {  	s18 =	sld [smem:$0x11];
	(tm) =	ssettm $0x1  }
0x9b: {  	s19 =	sld [smem:$0x3FFB];
	_ =	sdelay $0x3  }
0x9c: {  	_ =	strace s19  }
0x9d: {  	s9 =	sld [smem:$0x3FFC];
	_ =	sdelay $0x3  }
0x9e: {  	_ =	strace s9  }
0x9f: {  	s9 =	sld [smem:$0x3FFD];
	_ =	sdelay $0x3  }
0xa0: {  	_ =	strace s9  }
0xa1: {  	_ =	strace $0x8FFFFFFF  }
0xa2: {  	s20 =	sld [smem:$0x3FDB];
	_ =	sdelay $0x1  }
0xa3: {  	s10 =	simm.s32 $_scs_section_size  }
0xa4: {  	s11 =	simm.s32 $_size__tile_overlayer_lowered;
	s12 =	simm.s32 $_tile_overlayer_lowered  }
0xa5: {  	s23 =	simm.s32 $0x1BFF;
	s22 =	sshll.u32 s12, $0x1;
	s9 =	sadd.s32 s10, s20  }
0xa6: {  	s13 =	simm.s32 $0x0;
	s21 =	sshll.u32 s11, $0x1;
	s11 =	sadd.s32 s22, s9  }
0xa7: {  	[timem:s13], [sflag:s23] =	dma.local [hbm:s11], s21  }
0xa8: {  	_ =	swait.ge [sflag:s23], s21  }
0xa9: {  	s10 =	ssub.s32 $0x0, s21;
	[sflag:s23] =	ssyncset.done $0x0  }
0xaa: {  	[sflag:s23] =	ssyncadd.s32 s10;
	_ =	sdelay $0x1  }
0xab: {  	s24 =	simm.s32 $0x1B8B  }
0xac: {  	_ =	swait.ge [sflag:s24], $0x1  }
0xad: {  	[sflag:s24] =	ssyncset.done $0x0  }
0xae: {  	s25 =	simm.s32 $0x1B8E;
	[sflag:s24] =	ssyncadd.s32 $0xFFFFFFFF  }
0xaf: {  	s26 =	simm.s32 $execute0_lowered;
	[smem:$0x3FD2] =	sst s25  }
0xb0: {  	s10 =	sshll.u32 s26, $0x1;
	_ =	strace $0x80000046;
	[dreg:$0x1] =	wrdreg $0xFFFFFFFF  }
0xb1: {  	s28 =	simm.s32 $_size_execute0_lowered;
	s9 =	sadd.s32 s9, s10;
	[dreg:$0x0] =	wrdreg $0x0  }
0xb2: {  	s10 =	sshll.u32 s28, $0x1;
	[dreg:$0x2] =	wrdreg s9  }
0xb3: {  	[dreg:$0x3] =	wrdreg s10  }
0xb4: {  	[dreg:$0x4] =	wrdreg $0xC0  }
0xb5: {  	_ =	task [dreg:s13], $0x5FFFF  }
0xb6: {  	[dreg:$0x1] =	wrdreg $0xFFFFFFFF  }
0xb7: {  	[dreg:$0x0] =	wrdreg $0x60  }
0xb8: {  	[dreg:$0x2] =	wrdreg s2  }
0xb9: {  	[dreg:$0x3] =	wrdreg s16  }
0xba: {  	[dreg:$0x4] =	wrdreg s5  }
0xbb: {  	[dreg:$0x5] =	wrdreg s6  }
0xbc: {  	[dreg:$0x6] =	wrdreg s7  }
0xbd: {  	[dreg:$0x7] =	wrdreg s17  }
0xbe: {  	[dreg:$0x8] =	wrdreg s18  }
0xbf: {  	[dreg:$0x9] =	wrdreg $0x9  }
0xc0: {  	_ =	task.clear_ibuf [dreg:s13], $0xAFFFF;
	_ =	strace $0x90000046  }
0xc1: {  	s29 =	simm.s32 $0x9;
	_ =	strace $0x80000048  }
0xc2: {  	_ =	swait.ge [sflag:s29], $0x1  }
0xc3: {  	[sflag:s29] =	ssyncadd.s32 $0xFFFFFFFF  }
0xc4: {  	_ =	strace $0x90000048  }
0xc5: {  	_ =	sfence  }
0xc6: {  	s30 =	sld [smem:$0x0];
	_ =	sdelay $0x2  }
0xc7: {  	s31 =	sshll.u32 s1, $0xD;
	s1 =	sshrl.u32 s1, $0x2  }
0xc8: {  	s3 =	sand.u32 $0x4000, s31;
	s1 =	sadd.s32 s1, s30  }
0xc9: {  	s0 =	sor.u32 s3, s0;
	s1 =	sshll.u32 s1, $0x11  }
0xca: {  	s0 =	sor.u32 s1, s0  }
0xcb: {  	s0 =	sadd.s32 $0x8F2B, s0  }
0xcc: {  	[sflag:s0] =	ssyncadd.remote.s32 $0x1  }
0xcd: {  	_ =	sfence.sel $0xFFFF  }
0xce: {  	[dreg:$0x0] =	wrdreg $0xFFFFFFFF;
	(pc) =	sbr.abs _section_cstart, $3  }
0xcf: {  	[dreg:$0x1] =	wrdreg $0xFFFFFFFF  }
0xd0: {  	_ =	task.clear_ibuf [dreg:s13], $0x2FFFF;
	_ =	strace $0x9FFFFFFF  }
0xd1: {  	(tm) =	ssettm $0x7FFFFFFF  }
tec
execute0_lowered:
.L_overlay_start_1:
0x0: {  	(tag) =	ssettag $0x1  }
0x1: {  	s6 =	rddreg [dreg:$0x0]  }
0x2: {  	s0 =	rddreg [dreg:$0x3]  }
0x3: {  	s8 =	rddreg [dreg:$0x4]  }
0x4: {  	s9 =	rddreg [dreg:$0x5]  }
0x5: {  	s1 =	rddreg [dreg:$0x6];
	s2 =	srdreg.scid  }
0x6: {  	s3 =	stileid.u32;
	s7 =	simm.s32 $0x0;
	s2 =	sand.u32 $0x1, s2  }
0x7: {  	s3 =	sshll.u32 s3, $0x1;
	[smem:$0x7FF] =	sst s7;
	s29 =	sadd.s32 $0x4000, s9  }
0x8: {  	s4 =	ssub.s32 $0x2, s2;
	s2 =	sor.u32 s2, s3;
	_ =	strace $0x80000047  }
0x9: {  	[dreg:$0x11] =	wrdreg s29;
	s5 =	sshll.u32 s2, $0x9;
	s10 =	sshll.u32 s2, $0xC  }
0xa: {  	s31 =	simm.s32 $0x4;
	s22 =	sadd.s32 s6, s5;
	[dreg:$0x8] =	wrdreg s10  }
0xb: {  	s2 =	sshll.u32 s2, $0x6;
	s23 =	sadd.s32 s8, s5;
	[dreg:$0x9] =	wrdreg s22  }
0xc: {  	s19 =	simm.s32 $0x0;
	s0 =	sadd.s32 s0, s2;
	[dreg:$0xa] =	wrdreg s23  }
0xd: {  	s21 =	sshrl.u32 s4, $0x1;
	s25 =	sadd.s32 s1, s2;
	[dreg:$0xd] =	wrdreg s0  }
0xe: {  	s24 =	sor.u32 $0x4000, s5;
	s26 =	sor.u32 $0x40000, s10;
	[dreg:$0xe] =	wrdreg s25  }
.Ltmp0:
0xf: {  	s28 =	sor.u32 $0x60000, s10;
	[dreg:$0xf] =	wrdreg s26;
	(pc) =	sbr.rel .LBB2_1-.Ltmp0, $4  }
0x10: {  	s3 =	ssub.s32 s4, s21;
	s5 =	sadd.s32 s6, s24;
	[dreg:$0x10] =	wrdreg s28  }
0x11: {  	s2 =	simm.s32 $0x7;
	s4 =	sadd.s32 s8, s24;
	[dreg:$0xb] =	wrdreg s5  }
0x12: {  	s30 =	smax.u32 s3, $0x1;
	s3 =	simm.s32 $0x0;
	[dreg:$0xc] =	wrdreg s4  }
0x13: {  	[dreg:$0x12] =	wrdreg s30;
	s4 =	simm.s32 $0x200;
	s5 =	simm.s32 $0x5F0  }
.LBB2_10:
0x14: {  	s2 =	simm.s32 $0x7  }
0x15: {  	_ =	swait.ge [sflag:s2], $0x200  }
0x16: {  	[sflag:s2] =	ssyncset.done $0x0  }
0x17: {  	s0 =	simm.s32 $0x5;
	[sflag:s2] =	ssyncadd.s32 $0xFFFFFE00  }
0x18: {  	_ =	swait.ge [sflag:s0], $0x1000  }
0x19: {  	[sflag:s0] =	ssyncset.done $0x0  }
0x1a: {  	s1 =	simm.s32 $0x6;
	[sflag:s0] =	ssyncadd.s32 $0xFFFFF000  }
0x1b: {  	_ =	swait.ge [sflag:s1], $0x1000  }
0x1c: {  	s3 =	rddreg [dreg:$0x13]  }
0x1d: {  	s30 =	rddreg [dreg:$0x12];
	s3 =	sadd.s32 $0x1, s3  }
0x1e: {  	p0 =	sne.s32 s3, s30  }
.Ltmp1:
0x1f: {  	_ = 	snop;
	(pc) =	sbr.rel @!p0 .LBB2_11-.Ltmp1, $3  }
0x20: {  	_ =	sdelay $0x1  }
0x21: {  	[sflag:s1] =	ssyncset.done $0x0  }
0x22: {  	s4 =	simm.s32 $0x200;
	s5 =	simm.s32 $0x5F0;
	[sflag:s1] =	ssyncadd.s32 $0xFFFFF000  }
.LBB2_1:
0x23: {  	[dreg:$0x13] =	wrdreg s3  }
0x24: {  	s0 =	rddreg [dreg:$0x9];
	s1 =	simm.s32 $0xDE0  }
0x25: {  	[tilespmem:s1], [sflag:$0x1] =	stream.linear.gather [hbm4b:s0+s7], $0x1000, $0x38;
	[tilespmem:$0x6DE0] =	vst v63  }
0x26: {  	s21 =	rddreg [dreg:$0xa];
	s22 =	simm.s32 $0x2DE0  }
0x27: {  	[tilespmem:s22], [sflag:$0x3] =	stream.linear.gather [hbm4b:s21+s7], $0x1000, $0x38;
	[tilespmem:$0x6DE0] =	vst v63  }
0x28: {  	s23 =	rddreg [dreg:$0xb];
	s24 =	simm.s32 $0x1DE0  }
0x29: {  	[tilespmem:s24], [sflag:$0x2] =	stream.linear.gather [hbm4b:s23+s7], $0x1000, $0x38;
	[tilespmem:$0x6DE0] =	vst v63  }
0x2a: {  	s25 =	rddreg [dreg:$0xc];
	s26 =	simm.s32 $0x3DE0  }
0x2b: {  	[tilespmem:s26], [sflag:$0x4] =	stream.linear.gather [hbm4b:s25+s7], $0x1000, $0x38;
	[tilespmem:$0x6DE0] =	vst v63  }
0x2c: {  	s28 =	rddreg [dreg:$0xd]  }
0x2d: {  	[tilespmem:s7], [sflag:$0x7] =	stream.linear.gather [hbm4b:s28+s7], $0x200, $0x38;
	[tilespmem:$0x6DE0] =	vst v63  }
0x2e: {  	s29 =	rddreg [dreg:$0x1]  }
0x2f: {  	[tilespmem:s4], [sflag:$0x7] =	stream.linear.gather [hbm4b:s29+s7], $0x3F0, $0x38;
	[tilespmem:$0x6DE0] =	vst v63  }
0x30: {  	s30 =	rddreg [dreg:$0x2]  }
0x31: {  	[tilespmem:s5], [sflag:$0x7] =	stream.linear.gather [hbm4b:s30+s7], $0x3F0, $0x38;
	[tilespmem:$0x6DE0] =	vst v63  }
0x32: {  	_ =	swait.ge [sflag:s2], $0x200  }
0x33: {  	[sflag:s2] =	ssyncset.done $0x0  }
0x34: {  	[sflag:s2] =	ssyncadd.s32 $0xFFFFFE00  }
0x35: {  	_ =	swait.ge [sflag:s2], $0x3F0  }
0x36: {  	[sflag:s2] =	ssyncset.done $0x0  }
0x37: {  	[sflag:s2] =	ssyncadd.s32 $0xFFFFFC10  }
0x38: {  	_ =	swait.ge [sflag:s2], $0x3F0  }
0x39: {  	s3 =	simm.s32 $0xBF0;
	s0 =	simm.s32 $0xFFFFFFFE;
	[sflag:s2] =	ssyncset.done $0x0  }
0x3a: {  	s1 =	simm.s32 $0x10;
	[sflag:s2] =	ssyncadd.s32 $0xFFFFFC10;
	s2 =	simm.s32 $0x9F0  }
.LBB2_2:
0x3b: {  	v0 =	vld [tilespmem:s1+$0xFFFFFFF0];
	_ =	sdelay $0x7  }
0x3c: {  	v1 =	vld.idx.msk [tilespmem:v0+s4+$0x0], $0xffff;
	_ =	sdelay $0x4  }
0x3d: {  	[tilespmem:s2+$0xFFFFFFF0] =	vst v1  }
0x3e: {  	v0 =	vld.idx.msk [tilespmem:v0+s5+$0x0], $0xffff;
	_ =	sdelay $0x4  }
0x3f: {  	v0 =	vmul.f32 $5.000000070e-02, v0;
	_ =	sdelay $0x1  }
0x40: {  	[tilespmem:s3+$0xFFFFFFF0] =	vst v0  }
0x41: {  	v0 =	vld [tilespmem:s1+$0x0];
	_ =	sdelay $0x7  }
0x42: {  	v1 =	vld.idx.msk [tilespmem:v0+s4+$0x0], $0xffff;
	_ =	sdelay $0x4  }
0x43: {  	[tilespmem:s2+$0x0] =	vst v1  }
0x44: {  	v0 =	vld.idx.msk [tilespmem:v0+s5+$0x0], $0xffff  }
0x45: {  	s0 =	sadd.s32 $0x2, s0  }
0x46: {  	p0 =	slt.u32 s0, $0x1E  }
.Ltmp2:
0x47: {  	_ = 	snop;
	(pc) =	sbr.rel @p0 .LBB2_2-.Ltmp2, $3  }
0x48: {  	_ = 	snop  }
0x49: {  	v0 =	vmul.f32 $5.000000070e-02, v0;
	_ =	sdelay $0x1  }
0x4a: {  	s1 =	sadd.s32 $0x20, s1;
	s2 =	sadd.s32 $0x20, s2;
	[tilespmem:s3+$0x0] =	vst v0;
	s3 =	sadd.s32 $0x20, s3  }
0x4b: {  	s0 =	rddreg [dreg:$0xe];
	s20 =	simm.s32 $0x0  }
0x4c: {  	[hbm4b:s0+s19] =	stream.linear.scatter [tilespmem:s19], [sflag:$0x7], $0x200, $0x38;
	[tilespmem:$0x6DE0] =	vst v63  }
.LBB2_4:
0x4d: {  	s0 =	simm.s32 $0x1  }
0x4e: {  	_ =	swait.ge [sflag:s0], $0x1000  }
0x4f: {  	[sflag:s0] =	ssyncset.done $0x0  }
0x50: {  	s16 =	simm.s32 $0x3;
	[sflag:s0] =	ssyncadd.s32 $0xFFFFF000  }
0x51: {  	_ =	swait.ge [sflag:s16], $0x1000  }
0x52: {  	p0 =	seq.s32 s20, $0x0;
	[sflag:s16] =	ssyncset.done $0x0  }
0x53: {  	s0 =	simm.s32 @!p0 $0x5;
	[sflag:s16] =	ssyncadd.s32 $0xFFFFF000  }
0x54: {  	_ =	swait.ge @!p0 [sflag:s0], $0x1000  }
0x55: {  	[sflag:s0] =	ssyncset.done @!p0 $0x0  }
0x56: {  	s3 =	simm.s32 $0x9F0;
	s1 =	simm.s32 $0x0;
	[sflag:s0] =	ssyncadd.s32 @!p0 $0xFFFFF000  }
0x57: {  	s4 =	simm.s32 $0xBF0;
	s5 =	sand.u32 $0xC00, s19;
	s17 =	sand.u32 $0x60, s1;
	v8 =	vld [tilespmem:s3+$0xFFFFFFF0]  }
0x58: {  	s2 =	sor.u32 s17, s5;
	v9 =	vld [tilespmem:s4+$0xFFFFFFF0]  }
0x59: {  	v0 =	vld [tilespmem:s2+$0xDE0]  }
0x5a: {  	v1 =	vld [tilespmem:s2+$0x2DE0]  }
0x5b: {  	v2 =	vld [tilespmem:s2+$0xE60]  }
0x5c: {  	v3 =	vld [tilespmem:s2+$0x2E60]  }
0x5d: {  	v4 =	vld [tilespmem:s2+$0xEE0]  }
0x5e: {  	v5 =	vld [tilespmem:s2+$0x2EE0];
	_ =	sdelay $0x2  }
0x5f: {  	s12 =	simm.s32 $0x10;
	v0 =	vmul.f32 v0, v8;
	v1 =	vmul.f32 v1, v9  }
0x60: {  	s18 =	sand.u32 $0x70, s12;
	v2 =	vmul.f32 v2, v8;
	v3 =	vmul.f32 v3, v9  }
0x61: {  	s0 =	sor.u32 s5, s18;
	v0 =	vadd.f32 v1, v0;
	v1 =	vmul.f32 v4, v8;
	v4 =	vmul.f32 v5, v9  }
0x62: {  	v6 =	vld [tilespmem:s0+$0xDE0];
	v2 =	vadd.f32 v3, v2  }
0x63: {  	v7 =	vld [tilespmem:s0+$0x2DE0];
	[tilespmem:s2+$0x4DE0] =	vst v0;
	v1 =	vadd.f32 v4, v1  }
0x64: {  	s21 =	sor.u32 s1, s5;
	v10 =	vld [tilespmem:s0+$0xE60];
	[tilespmem:s2+$0x4E60] =	vst v2  }
0x65: {  	v5 =	vld [tilespmem:s3+$0x0];
	s3 =	sor.u32 $0x180, s21;
	[tilespmem:s2+$0x4EE0] =	vst v1  }
0x66: {  	v1 =	vld [tilespmem:s3+$0xDE0]  }
0x67: {  	v4 =	vld [tilespmem:s3+$0x2DE0]  }
0x68: {  	v11 =	vld [tilespmem:s0+$0x2E60]  }
0x69: {  	v0 =	vld [tilespmem:s4+$0x0]  }
0x6a: {  	v3 =	vld [tilespmem:s0+$0xEE0]  }
0x6b: {  	v2 =	vld [tilespmem:s0+$0x2EE0]  }
0x6c: {  	v1 =	vmul.f32 v1, v8;
	v4 =	vmul.f32 v4, v9  }
0x6d: {  	v6 =	vmul.f32 v6, v5;
	v10 =	vmul.f32 v10, v5  }
0x6e: {  	v7 =	vmul.f32 v7, v0;
	v11 =	vmul.f32 v11, v0;
	v1 =	vadd.f32 v4, v1  }
0x6f: {  	s8 =	simm.s32 $0xA10;
	v3 =	vmul.f32 v3, v5  }
0x70: {  	v2 =	vmul.f32 v2, v0;
	v6 =	vadd.f32 v7, v6;
	v7 =	vadd.f32 v11, v10;
	v10 =	vld [tilespmem:s8+$0xFFFFFFF0];
	[tilespmem:s3+$0x4DE0] =	vst v1  }
0x71: {  	v1 =	vld [tilespmem:s2+$0xFE0]  }
0x72: {  	v2 =	vadd.f32 v2, v3;
	v3 =	vld [tilespmem:s2+$0x2FE0]  }
0x73: {  	[tilespmem:s0+$0x4DE0] =	vst v6;
	v4 =	vld [tilespmem:s2+$0x1060]  }
0x74: {  	s9 =	simm.s32 $0xC10;
	s22 =	sor.u32 s12, s5;
	[tilespmem:s0+$0x4E60] =	vst v7;
	v6 =	vld [tilespmem:s2+$0x3060]  }
0x75: {  	s6 =	sor.u32 $0x180, s22;
	s21 =	simm.s32 $0x100;
	v11 =	vld [tilespmem:s9+$0xFFFFFFF0];
	[tilespmem:s0+$0x4EE0] =	vst v2;
	s3 =	simm.s32 $0x20  }
0x76: {  	s24 =	sand.u32 $0xC00, s21;
	v2 =	vld [tilespmem:s6+$0xDE0];
	s23 =	sand.u32 $0x60, s3  }
0x77: {  	v7 =	vld [tilespmem:s6+$0x2DE0];
	s5 =	sor.u32 s23, s24  }
0x78: {  	v12 =	vld [tilespmem:s5+$0xDE0];
	v1 =	vmul.f32 v1, v8;
	v3 =	vmul.f32 v3, v9  }
0x79: {  	v13 =	vld [tilespmem:s5+$0x2DE0];
	v4 =	vmul.f32 v4, v8;
	v6 =	vmul.f32 v6, v9  }
0x7a: {  	s10 =	sand.u32 $0x3, s19;
	v14 =	vld [tilespmem:s5+$0xE60];
	v1 =	vadd.f32 v3, v1  }
0x7b: {  	s10 =	sshll.u32 s10, $0x5;
	v3 =	vld [tilespmem:s5+$0x2E60];
	v4 =	vadd.f32 v6, v4  }
0x7c: {  	s10 =	sadd.s32 $0x0, s10;
	v6 =	vld [tilespmem:s5+$0xEE0];
	[tilespmem:s2+$0x4FE0] =	vst v1  }
0x7d: {  	s22 =	simm.s32 $0x30;
	s10 =	sor.u32 $0x300, s10;
	v1 =	vld [tilespmem:s5+$0x2EE0];
	[tilespmem:s2+$0x5060] =	vst v4  }
0x7e: {  	s25 =	sand.u32 $0x70, s22;
	v4 =	vld [tilespmem:s10+$0xDE0]  }
0x7f: {  	s2 =	sor.u32 s24, s25;
	v15 =	vld [tilespmem:s10+$0x2DE0]  }
0x80: {  	v16 =	vld [tilespmem:s2+$0xDE0]  }
0x81: {  	v12 =	vmul.f32 v12, v10;
	v13 =	vmul.f32 v13, v11;
	v17 =	vld [tilespmem:s2+$0x2DE0]  }
0x82: {  	v14 =	vmul.f32 v14, v10;
	v18 =	vld [tilespmem:s2+$0xE60];
	v3 =	vmul.f32 v3, v11  }
0x83: {  	v12 =	vadd.f32 v13, v12;
	v19 =	vld [tilespmem:s2+$0x2E60];
	v6 =	vmul.f32 v6, v10;
	v13 =	vmul.f32 v1, v11  }
0x84: {  	v3 =	vadd.f32 v3, v14;
	v1 =	vld [tilespmem:s8+$0x0]  }
0x85: {  	v7 =	vmul.f32 v7, v0;
	[tilespmem:s5+$0x4DE0] =	vst v12;
	v14 =	vmul.f32 v2, v5;
	v2 =	vld [tilespmem:s9+$0x0];
	v6 =	vadd.f32 v13, v6  }
0x86: {  	s26 =	sor.u32 s3, s24;
	v12 =	vld [tilespmem:s2+$0xEE0];
	[tilespmem:s5+$0x4E60] =	vst v3  }
0x87: {  	s8 =	sor.u32 $0x180, s26;
	v3 =	vadd.f32 v7, v14;
	v7 =	vld [tilespmem:s2+$0x2EE0];
	[tilespmem:s5+$0x4EE0] =	vst v6  }
0x88: {  	v6 =	vld [tilespmem:s8+$0xDE0]  }
0x89: {  	[tilespmem:s6+$0x4DE0] =	vst v3;
	v3 =	vmul.f32 v4, v8;
	v4 =	vmul.f32 v15, v9;
	v13 =	vld [tilespmem:s8+$0x2DE0]  }
0x8a: {  	v14 =	vmul.f32 v16, v1;
	v15 =	vmul.f32 v17, v2;
	v20 =	vld [tilespmem:s0+$0xFE0]  }
0x8b: {  	v16 =	vmul.f32 v19, v2;
	v3 =	vadd.f32 v4, v3;
	v4 =	vmul.f32 v18, v1;
	v18 =	vld [tilespmem:s0+$0x2FE0]  }
0x8c: {  	s1 =	sor.u32 s1, s19;
	v12 =	vmul.f32 v12, v1;
	v7 =	vmul.f32 v7, v2;
	v14 =	vadd.f32 v15, v14;
	v15 =	vld [tilespmem:s0+$0x1060]  }
0x8d: {  	s1 =	sor.u32 $0x380, s1;
	[tilespmem:s10+$0x4DE0] =	vst v3;
	v3 =	vadd.f32 v16, v4;
	v4 =	vld [tilespmem:s0+$0x3060]  }
0x8e: {  	v7 =	vadd.f32 v7, v12;
	[tilespmem:s2+$0x4DE0] =	vst v14;
	v16 =	vld [tilespmem:s1+$0xDE0]  }
0x8f: {  	s14 =	simm.s32 $0xA30;
	s4 =	sor.u32 s22, s24;
	v17 =	vld [tilespmem:s1+$0x2DE0];
	v6 =	vmul.f32 v6, v10;
	v12 =	vmul.f32 v13, v11;
	[tilespmem:s2+$0x4E60] =	vst v3  }
0x90: {  	s11 =	sor.u32 $0x180, s4;
	v14 =	vld [tilespmem:s14+$0xFFFFFFF0];
	[tilespmem:s2+$0x4EE0] =	vst v7  }
0x91: {  	v3 =	vadd.f32 v12, v6;
	v12 =	vld [tilespmem:s11+$0xDE0]  }
0x92: {  	s15 =	simm.s32 $0xC30;
	v7 =	vmul.f32 v18, v0;
	v6 =	vmul.f32 v20, v5;
	v19 =	vld [tilespmem:s11+$0x2DE0]  }
0x93: {  	s28 =	sand.u32 $0x7, s19;
	v13 =	vmul.f32 v15, v5;
	v15 =	vld [tilespmem:s15+$0xFFFFFFF0];
	[tilespmem:s8+$0x4DE0] =	vst v3;
	v3 =	vmul.f32 v4, v0  }
0x94: {  	s4 =	sshll.u32 s28, $0x4;
	v4 =	vadd.f32 v7, v6;
	v6 =	vld [tilespmem:s5+$0xFE0]  }
0x95: {  	s4 =	sadd.s32 $0x0, s4;
	v7 =	vld [tilespmem:s5+$0x2FE0];
	v3 =	vadd.f32 v3, v13  }
0x96: {  	s4 =	sadd.s32 $0x10, s4;
	[tilespmem:s0+$0x4FE0] =	vst v4;
	v4 =	vld [tilespmem:s5+$0x1060]  }
0x97: {  	s30 =	simm.s32 $0x40;
	s4 =	sor.u32 $0x300, s4;
	v13 =	vld [tilespmem:s5+$0x3060];
	[tilespmem:s0+$0x5060] =	vst v3;
	s0 =	simm.s32 $0x200  }
0x98: {  	s8 =	sand.u32 $0x60, s30;
	v18 =	vld [tilespmem:s4+$0xDE0];
	s13 =	sand.u32 $0xC00, s0  }
0x99: {  	v43 =	vld [tilespmem:s4+$0x2DE0];
	s6 =	sor.u32 s8, s13  }
0x9a: {  	s10 =	simm.s32 $0x1;
	v3 =	vld [tilespmem:s6+$0xDE0]  }
0x9b: {  	v6 =	vmul.f32 v6, v10;
	v7 =	vmul.f32 v7, v11;
	s8 =	sand.u32 $0x3, s10;
	v20 =	vld [tilespmem:s6+$0x2DE0]  }
0x9c: {  	v4 =	vmul.f32 v4, v10;
	v13 =	vmul.f32 v13, v11;
	v21 =	vld [tilespmem:s6+$0xE60];
	s8 =	sshll.u32 s8, $0x5  }
0x9d: {  	v6 =	vadd.f32 v7, v6;
	v7 =	vld [tilespmem:s6+$0x2E60];
	s16 =	sadd.s32 $0x100, s8;
	s8 =	simm.s32 $0x50  }
0x9e: {  	v4 =	vadd.f32 v13, v4;
	v13 =	vld [tilespmem:s6+$0xEE0];
	s18 =	sand.u32 $0x70, s8  }
0x9f: {  	[tilespmem:s5+$0x4FE0] =	vst v6;
	v6 =	vld [tilespmem:s6+$0x2EE0];
	s10 =	sor.u32 s13, s18  }
0xa0: {  	v24 =	vld [tilespmem:s10+$0xDE0]  }
0xa1: {  	v25 =	vld [tilespmem:s10+$0xE60]  }
0xa2: {  	s17 =	sor.u32 $0x300, s16;
	[tilespmem:s5+$0x5060] =	vst v4;
	v26 =	vld [tilespmem:s10+$0x2E60]  }
0xa3: {  	v22 =	vld [tilespmem:s17+$0xDE0];
	v3 =	vmul.f32 v3, v14;
	v4 =	vmul.f32 v20, v15  }
0xa4: {  	v23 =	vld [tilespmem:s17+$0x2DE0];
	v21 =	vmul.f32 v21, v14;
	v7 =	vmul.f32 v7, v15  }
0xa5: {  	v20 =	vld [tilespmem:s10+$0x2DE0];
	v4 =	vadd.f32 v4, v3;
	v13 =	vmul.f32 v13, v14;
	v6 =	vmul.f32 v6, v15  }
0xa6: {  	v3 =	vld [tilespmem:s14+$0x0];
	v7 =	vadd.f32 v7, v21  }
0xa7: {  	v12 =	vmul.f32 v12, v1;
	v19 =	vmul.f32 v19, v2;
	[tilespmem:s6+$0x4DE0] =	vst v4;
	v4 =	vld [tilespmem:s15+$0x0];
	v6 =	vadd.f32 v6, v13  }
0xa8: {  	s23 =	sor.u32 s30, s13;
	v13 =	vld [tilespmem:s10+$0xEE0];
	[tilespmem:s6+$0x4E60] =	vst v7  }
0xa9: {  	s14 =	sor.u32 $0x180, s23;
	v7 =	vadd.f32 v19, v12;
	v12 =	vld [tilespmem:s10+$0x2EE0];
	[tilespmem:s6+$0x4EE0] =	vst v6  }
0xaa: {  	v6 =	vld [tilespmem:s14+$0xDE0]  }
0xab: {  	[tilespmem:s11+$0x4DE0] =	vst v7;
	v36 =	vld [tilespmem:s14+$0x2DE0]  }
0xac: {  	s18 =	simm.s32 $0x300;
	v19 =	vmul.f32 v23, v11;
	v7 =	vmul.f32 v22, v10;
	s11 =	simm.s32 $0x60;
	v38 =	vld [tilespmem:s2+$0xFE0]  }
0xad: {  	s16 =	sand.u32 $0xC00, s18;
	v37 =	vmul.f32 v24, v3;
	v40 =	vld [tilespmem:s2+$0x2FE0];
	s26 =	sand.u32 $0x60, s11;
	v20 =	vmul.f32 v20, v4  }
0xae: {  	s24 =	sor.u32 s8, s13;
	v41 =	vld [tilespmem:s2+$0x1060];
	v7 =	vadd.f32 v19, v7;
	v19 =	vmul.f32 v25, v3;
	v39 =	vmul.f32 v26, v4;
	s13 =	sor.u32 s26, s16  }
0xaf: {  	v13 =	vmul.f32 v13, v3;
	v12 =	vmul.f32 v12, v4;
	v27 =	vld [tilespmem:s13+$0xDE0];
	v20 =	vadd.f32 v20, v37  }
0xb0: {  	v28 =	vld [tilespmem:s13+$0x2DE0];
	[tilespmem:s17+$0x4DE0] =	vst v7;
	v7 =	vadd.f32 v39, v19  }
0xb1: {  	v29 =	vld [tilespmem:s13+$0xE60];
	v12 =	vadd.f32 v12, v13;
	v6 =	vmul.f32 v6, v14;
	v13 =	vmul.f32 v36, v15;
	[tilespmem:s10+$0x4DE0] =	vst v20  }
0xb2: {  	v48 =	vld [tilespmem:s13+$0x2E60];
	[tilespmem:s10+$0x4E60] =	vst v7  }
0xb3: {  	v19 =	vld [tilespmem:s2+$0x3060];
	s17 =	sor.u32 $0x180, s24;
	[tilespmem:s10+$0x4EE0] =	vst v12;
	v6 =	vadd.f32 v13, v6  }
0xb4: {  	v7 =	vmul.f32 v38, v1;
	v12 =	vmul.f32 v40, v2;
	v13 =	vld [tilespmem:s17+$0xDE0]  }
0xb5: {  	v44 =	vld [tilespmem:s17+$0x2DE0];
	[tilespmem:s14+$0x4DE0] =	vst v6  }
0xb6: {  	v7 =	vadd.f32 v12, v7;
	v12 =	vld [tilespmem:s6+$0xFE0]  }
0xb7: {  	s3 =	sor.u32 s3, s21;
	s25 =	simm.s32 $0x2;
	v45 =	vld [tilespmem:s6+$0x2FE0]  }
0xb8: {  	s15 =	sor.u32 $0x380, s3;
	s3 =	sand.u32 $0x7, s25;
	v46 =	vld [tilespmem:s6+$0x1060]  }
0xb9: {  	s3 =	sshll.u32 s3, $0x4;
	v47 =	vld [tilespmem:s6+$0x3060]  }
0xba: {  	s3 =	sadd.s32 $0x100, s3;
	v49 =	vld [tilespmem:s13+$0xEE0];
	v22 =	vmul.f32 v41, v1;
	v6 =	vmul.f32 v19, v2  }
0xbb: {  	s3 =	sadd.s32 $0x10, s3;
	v42 =	vld [tilespmem:s15+$0xDE0]  }
0xbc: {  	v20 =	vld [tilespmem:s15+$0x2DE0];
	s14 =	sor.u32 $0x300, s3;
	s3 =	simm.s32 $0xC50;
	v6 =	vadd.f32 v6, v22;
	v53 =	vmul.f32 v13, v3;
	v23 =	vmul.f32 v44, v4  }
0xbd: {  	[tilespmem:s2+$0x4FE0] =	vst v7;
	v7 =	vld [tilespmem:s3+$0xFFFFFFF0];
	v12 =	vmul.f32 v12, v14;
	v25 =	vmul.f32 v45, v15  }
0xbe: {  	s5 =	simm.s32 $0xA50;
	v13 =	vld [tilespmem:s3+$0x0];
	[tilespmem:s2+$0x5060] =	vst v6;
	s2 =	simm.s32 $0x2;
	v23 =	vadd.f32 v23, v53;
	v22 =	vmul.f32 v46, v14;
	v26 =	vmul.f32 v47, v15  }
0xbf: {  	v6 =	vld [tilespmem:s5+$0xFFFFFFF0];
	s23 =	sand.u32 $0x3, s2;
	v12 =	vadd.f32 v25, v12  }
0xc0: {  	v19 =	vld [tilespmem:s14+$0xDE0];
	s23 =	sshll.u32 s23, $0x5;
	[tilespmem:s17+$0x4DE0] =	vst v23;
	v22 =	vadd.f32 v26, v22  }
0xc1: {  	s23 =	sadd.s32 $0x200, s23;
	v58 =	vld [tilespmem:s10+$0xFE0];
	[tilespmem:s6+$0x4FE0] =	vst v12  }
0xc2: {  	s25 =	simm.s32 $0x70;
	s23 =	sor.u32 $0x300, s23;
	v12 =	vld [tilespmem:s13+$0x2EE0];
	[tilespmem:s6+$0x5060] =	vst v22  }
0xc3: {  	s28 =	sand.u32 $0x70, s25;
	v22 =	vld [tilespmem:s23+$0xDE0]  }
0xc4: {  	s6 =	sor.u32 s16, s28;
	v30 =	vld [tilespmem:s23+$0x2DE0]  }
0xc5: {  	v28 =	vmul.f32 v28, v7;
	v27 =	vmul.f32 v27, v6;
	v31 =	vld [tilespmem:s6+$0xDE0]  }
0xc6: {  	v25 =	vmul.f32 v48, v7;
	v29 =	vmul.f32 v29, v6;
	v32 =	vld [tilespmem:s6+$0x2DE0]  }
0xc7: {  	v26 =	vmul.f32 v49, v6;
	v33 =	vld [tilespmem:s6+$0xE60];
	v27 =	vadd.f32 v28, v27;
	v12 =	vmul.f32 v12, v7  }
0xc8: {  	v50 =	vld [tilespmem:s6+$0x2E60];
	v25 =	vadd.f32 v25, v29  }
0xc9: {  	v51 =	vld [tilespmem:s6+$0xEE0];
	[tilespmem:s13+$0x4DE0] =	vst v27;
	v22 =	vmul.f32 v22, v14;
	v30 =	vmul.f32 v30, v15;
	v26 =	vadd.f32 v12, v26  }
0xca: {  	s24 =	sor.u32 s11, s16;
	[tilespmem:s13+$0x4E60] =	vst v25;
	v12 =	vld [tilespmem:s5+$0x0]  }
0xcb: {  	s24 =	sor.u32 $0x180, s24;
	v52 =	vld [tilespmem:s6+$0x2EE0];
	v22 =	vadd.f32 v30, v22;
	[tilespmem:s13+$0x4EE0] =	vst v26  }
0xcc: {  	s9 =	sor.u32 s30, s0;
	v54 =	vld [tilespmem:s24+$0xDE0]  }
0xcd: {  	v8 =	vmul.f32 v16, v8;
	v9 =	vmul.f32 v17, v9;
	[tilespmem:s23+$0x4DE0] =	vst v22;
	s23 =	sor.u32 $0x380, s9;
	v56 =	vld [tilespmem:s24+$0x2DE0]  }
0xce: {  	v17 =	vmul.f32 v18, v5;
	v18 =	vmul.f32 v43, v0;
	v55 =	vld [tilespmem:s23+$0xDE0]  }
0xcf: {  	v8 =	vadd.f32 v9, v8;
	v57 =	vmul.f32 v32, v13;
	v16 =	vld [tilespmem:s23+$0x2DE0];
	v9 =	vmul.f32 v31, v12  }
0xd0: {  	v17 =	vadd.f32 v18, v17;
	v59 =	vld [tilespmem:s10+$0x2FE0];
	v28 =	vmul.f32 v50, v13;
	v18 =	vmul.f32 v33, v12  }
0xd1: {  	[tilespmem:s1+$0x4DE0] =	vst v8;
	s30 =	sor.u32 s12, s19;
	s12 =	sor.u32 s22, s21;
	v60 =	vld [tilespmem:s10+$0x1060];
	v27 =	vmul.f32 v52, v13;
	v8 =	vmul.f32 v51, v12;
	v9 =	vadd.f32 v57, v9  }
0xd2: {  	s22 =	simm.s32 $0x6;
	s29 =	sor.u32 $0x380, s30;
	s12 =	sor.u32 $0x380, s12;
	[tilespmem:s4+$0x4DE0] =	vst v17;
	v10 =	vmul.f32 v42, v10;
	v11 =	vmul.f32 v20, v11;
	v20 =	vld [tilespmem:s10+$0x3060];
	v17 =	vadd.f32 v28, v18  }
0xd3: {  	s8 =	sor.u32 s8, s0;
	s4 =	sand.u32 $0x7, s22;
	v61 =	vld [tilespmem:s14+$0x2DE0];
	s17 =	simm.s32 $0x4;
	v8 =	vadd.f32 v27, v8;
	v18 =	vmul.f32 v54, v6;
	v21 =	vmul.f32 v56, v7;
	[tilespmem:s6+$0x4DE0] =	vst v9  }
0xd4: {  	v62 =	vld [tilespmem:s29+$0xDE0];
	s30 =	sor.u32 s25, s18;
	v10 =	vadd.f32 v11, v10;
	s21 =	sand.u32 $0x7, s17;
	s16 =	sor.u32 s25, s16;
	v11 =	vmul.f32 v55, v14;
	v14 =	vmul.f32 v16, v15;
	[tilespmem:s6+$0x4E60] =	vst v17  }
0xd5: {  	s26 =	sshll.u32 s4, $0x4;
	s1 =	sshll.u32 s21, $0x4;
	s4 =	sor.u32 $0x180, s16;
	v15 =	vmul.f32 v58, v3;
	[tilespmem:s6+$0x4EE0] =	vst v8;
	v8 =	vmul.f32 v59, v4;
	v9 =	vld [tilespmem:s29+$0x2DE0];
	v17 =	vadd.f32 v21, v18  }
0xd6: {  	[tilespmem:s15+$0x4DE0] =	vst v10;
	s21 =	sor.u32 $0x380, s30;
	s1 =	sadd.s32 $0x200, s1;
	s28 =	sadd.s32 $0x300, s26;
	v16 =	vld [tilespmem:s4+$0xDE0];
	v10 =	vadd.f32 v14, v11  }
0xd7: {  	s1 =	sadd.s32 $0x10, s1;
	s15 =	sadd.s32 $0x10, s28;
	s16 =	simm.s32 $0x300;
	v63 =	vmul.f32 v60, v3;
	v20 =	vmul.f32 v20, v4;
	v18 =	vld [tilespmem:s4+$0x2DE0];
	[tilespmem:s24+$0x4DE0] =	vst v17;
	v17 =	vadd.f32 v8, v15  }
0xd8: {  	s0 =	sor.u32 $0x300, s1;
	s1 =	sor.u32 $0x380, s8;
	s22 =	sor.u32 $0x300, s15;
	v8 =	vmul.f32 v19, v1;
	v15 =	vmul.f32 v61, v2;
	[tilespmem:s23+$0x4DE0] =	vst v10;
	v11 =	vld [tilespmem:s13+$0xFE0]  }
0xd9: {  	s8 =	simm.s32 $0x6;
	s15 =	simm.s32 $0x8;
	s9 =	sshll.u32 s20, $0x12;
	v14 =	vld [tilespmem:s13+$0x2FE0];
	v10 =	vmul.f32 v62, v5;
	[tilespmem:s10+$0x4FE0] =	vst v17;
	v17 =	vadd.f32 v20, v63  }
.LBB2_5:
0xda: {  	s17 =	sand.u32 $0x7, s15;
	v19 =	vld [tilespmem:s13+$0x1060];
	v8 =	vadd.f32 v15, v8;
	v9 =	vmul.f32 v9, v0;
	v5 =	vmovc v12;
	v0 =	vmovc v2;
	v2 =	vmov v4  }
0xdb: {  	s25 =	sadd.s32 $0x20, s25;
	v4 =	vmov v13;
	s24 =	sshll.u32 s17, $0x4;
	v12 =	vld [tilespmem:s13+$0x3060];
	v15 =	vmul.f32 v16, v5;
	[tilespmem:s10+$0x5060] =	vst v17;
	s10 =	smov.u32 s6  }
0xdc: {  	s5 =	sadd.s32 $0x20, s5;
	s18 =	sadd.s32 $0x100, s18;
	s17 =	sadd.s32 $0xFFFFFFF0, s25;
	v13 =	vmul.f32 v18, v4;
	v16 =	vld [tilespmem:s0+$0xDE0];
	[tilespmem:s14+$0x4DE0] =	vst v8;
	v8 =	vadd.f32 v9, v10  }
0xdd: {  	s3 =	sadd.s32 $0x20, s3;
	s23 =	sand.u32 $0xC00, s18;
	s6 =	sand.u32 $0x60, s17;
	v9 =	vld [tilespmem:s5+$0xFFFFFFF0]  }
0xde: {  	s14 =	sor.u32 s25, s23;
	s26 =	sor.u32 s6, s23;
	s6 =	sand.u32 $0x70, s25;
	v10 =	vld [tilespmem:s3+$0xFFFFFFF0];
	v13 =	vadd.f32 v13, v15;
	[tilespmem:s29+$0x4DE0] =	vst v8  }
0xdf: {  	s24 =	sadd.s32 s18, s24;
	s14 =	sor.u32 $0x180, s14;
	s6 =	sor.u32 s23, s6;
	v8 =	vmul.f32 v11, v6;
	v11 =	vmul.f32 v14, v7;
	v15 =	vld [tilespmem:s26+$0xDE0]  }
0xe0: {  	s2 =	sadd.s32 $0x1, s2;
	s24 =	sadd.s32 $0x10, s24;
	s29 =	sor.u32 s25, s18;
	v17 =	vmul.f32 v19, v6;
	v14 =	vld [tilespmem:s26+$0x2DE0];
	v12 =	vmul.f32 v12, v7;
	[tilespmem:s4+$0x4DE0] =	vst v13  }
0xe1: {  	s24 =	sor.u32 $0x300, s24;
	s28 =	sor.u32 $0x380, s29;
	s4 =	sand.u32 $0x3, s2;
	v11 =	vadd.f32 v11, v8;
	v13 =	vld [tilespmem:s26+$0xE60];
	v8 =	vmul.f32 v16, v3  }
0xe2: {  	s29 =	sshll.u32 s4, $0x5;
	s4 =	smov.u32 s14;
	s14 =	smov.u32 s0;
	v16 =	vld [tilespmem:s26+$0x2E60];
	v12 =	vadd.f32 v12, v17  }
0xe3: {  	s0 =	smov.u32 s22;
	s22 =	smov.u32 s24;
	s29 =	sadd.s32 s29, s16;
	v17 =	vld [tilespmem:s26+$0xEE0];
	[tilespmem:s13+$0x4FE0] =	vst v11  }
0xe4: {  	s24 =	sor.u32 $0x300, s29;
	s29 =	smov.u32 s12;
	v11 =	vld [tilespmem:s26+$0x2EE0];
	[tilespmem:s13+$0x5060] =	vst v12;
	s13 =	smov.u32 s26  }
0xe5: {  	s12 =	smov.u32 s1;
	s1 =	smov.u32 s21;
	s21 =	smov.u32 s28;
	v12 =	vld [tilespmem:s24+$0xDE0]  }
0xe6: {  	v18 =	vld [tilespmem:s24+$0x2DE0]  }
0xe7: {  	v19 =	vld [tilespmem:s6+$0xDE0]  }
0xe8: {  	v15 =	vmul.f32 v15, v9;
	v14 =	vmul.f32 v14, v10;
	v20 =	vld [tilespmem:s6+$0x2DE0]  }
0xe9: {  	v13 =	vmul.f32 v13, v9;
	v16 =	vmul.f32 v16, v10;
	v21 =	vld [tilespmem:s6+$0xE60]  }
0xea: {  	s8 =	sadd.s32 $0x2, s8;
	v14 =	vadd.f32 v14, v15;
	v15 =	vmul.f32 v17, v9;
	v11 =	vmul.f32 v11, v10;
	v17 =	vld [tilespmem:s6+$0x2E60]  }
0xeb: {  	p1 =	slt.u32 s8, $0x1E;
	v13 =	vadd.f32 v16, v13;
	v22 =	vmul.f32 v12, v6;
	v16 =	vld [tilespmem:s6+$0xEE0];
	v18 =	vmul.f32 v18, v7  }
0xec: {  	v11 =	vadd.f32 v11, v15;
	[tilespmem:s13+$0x4DE0] =	vst v14;
	v14 =	vld [tilespmem:s6+$0x2EE0]  }
0xed: {  	s23 =	sor.u32 s17, s23;
	[tilespmem:s13+$0x4E60] =	vst v13;
	v12 =	vld [tilespmem:s5+$0x0];
	v15 =	vadd.f32 v18, v22  }
0xee: {  	s23 =	sor.u32 $0x180, s23;
	s16 =	sor.u32 s11, s16;
	s11 =	smov.u32 s17;
	[tilespmem:s13+$0x4EE0] =	vst v11;
	v13 =	vld [tilespmem:s3+$0x0]  }
0xef: {  	s17 =	sor.u32 $0x380, s16;
	s16 =	smov.u32 s18;
	v11 =	vld [tilespmem:s23+$0xDE0];
	[tilespmem:s24+$0x4DE0] =	vst v15  }
0xf0: {  	v15 =	vld [tilespmem:s17+$0xDE0]  }
0xf1: {  	v18 =	vld [tilespmem:s17+$0x2DE0]  }
0xf2: {  	v22 =	vld [tilespmem:s23+$0x2DE0];
	v19 =	vmul.f32 v19, v12;
	v21 =	vmul.f32 v21, v12  }
0xf3: {  	v20 =	vmul.f32 v20, v13;
	v17 =	vmul.f32 v17, v13;
	v23 =	vld [tilespmem:s10+$0xFE0]  }
0xf4: {  	v16 =	vmul.f32 v16, v12;
	v14 =	vmul.f32 v14, v13;
	v24 =	vld [tilespmem:s10+$0x2FE0]  }
0xf5: {  	v19 =	vadd.f32 v20, v19;
	v17 =	vadd.f32 v17, v21;
	v20 =	vld [tilespmem:s10+$0x1060]  }
0xf6: {  	v14 =	vadd.f32 v14, v16;
	v15 =	vmul.f32 v15, v6;
	v6 =	vmovc v9;
	v16 =	vmul.f32 v18, v7;
	v21 =	vld [tilespmem:s10+$0x3060]  }
0xf7: {  	v9 =	vmul.f32 v11, v6;
	v7 =	vmov v10;
	v11 =	vmul.f32 v22, v10;
	[tilespmem:s6+$0x4DE0] =	vst v19;
	v19 =	vld [tilespmem:s14+$0x2DE0]  }
0xf8: {  	[tilespmem:s6+$0x4E60] =	vst v17;
	v10 =	vadd.f32 v16, v15;
	v15 =	vmul.f32 v23, v5;
	v22 =	vld [tilespmem:s29+$0xDE0]  }
.Ltmp3:
0xf9: {  	v11 =	vadd.f32 v11, v9;
	[tilespmem:s6+$0x4EE0] =	vst v14;
	v14 =	vmul.f32 v24, v4;
	v9 =	vld [tilespmem:s29+$0x2DE0];
	(pc) =	sbr.rel @p1 .LBB2_5-.Ltmp3, $4  }
0xfa: {  	v16 =	vld [tilespmem:s4+$0xDE0];
	[tilespmem:s17+$0x4DE0] =	vst v10;
	v10 =	vmul.f32 v20, v5  }
0xfb: {  	[tilespmem:s23+$0x4DE0] =	vst v11;
	v18 =	vld [tilespmem:s4+$0x2DE0];
	v17 =	vadd.f32 v14, v15;
	v20 =	vmul.f32 v21, v4  }
0xfc: {  	v11 =	vld [tilespmem:s13+$0xFE0];
	v15 =	vmul.f32 v19, v2  }
0xfd: {  	s15 =	sadd.s32 $0x2, s15;
	v14 =	vld [tilespmem:s13+$0x2FE0];
	[tilespmem:s10+$0x4FE0] =	vst v17;
	v17 =	vadd.f32 v20, v10;
	v10 =	vmul.f32 v22, v1;
	v1 =	vmovc v3;
	v3 =	vmov v5  }
0xfe: {  	_ =	sdelay $0x1  }
0xff: {  	v5 =	vmul.f32 v16, v12;
	v16 =	vmul.f32 v18, v13;
	_ =	sdelay $0x1  }
0x100: {  	v19 =	vld [tilespmem:s13+$0x3060];
	v5 =	vadd.f32 v16, v5  }
0x101: {  	v18 =	vld [tilespmem:s13+$0x1060]  }
0x102: {  	[tilespmem:s4+$0x4DE0] =	vst v5  }
0x103: {  	v5 =	vld [tilespmem:s6+$0xFE0]  }
0x104: {  	v11 =	vmul.f32 v11, v6;
	v14 =	vmul.f32 v14, v7;
	v16 =	vld [tilespmem:s6+$0x2FE0]  }
0x105: {  	v20 =	vld [tilespmem:s6+$0x1060]  }
0x106: {  	s2 =	sadd.s32 $0x1, s2;
	v19 =	vmul.f32 v19, v7;
	v11 =	vadd.f32 v14, v11;
	v18 =	vmul.f32 v18, v6;
	v14 =	vld [tilespmem:s6+$0x3060]  }
0x107: {  	s2 =	sand.u32 $0x3, s2  }
0x108: {  	s2 =	sshll.u32 s2, $0x5;
	v18 =	vadd.f32 v19, v18  }
0x109: {  	s2 =	sadd.s32 s2, s16;
	[tilespmem:s13+$0x4FE0] =	vst v11  }
0x10a: {  	s2 =	sor.u32 $0x300, s2;
	[tilespmem:s13+$0x5060] =	vst v18;
	v5 =	vmul.f32 v5, v12;
	v16 =	vmul.f32 v16, v13  }
0x10b: {  	v11 =	vld [tilespmem:s2+$0xDE0];
	v19 =	vmul.f32 v20, v12;
	v14 =	vmul.f32 v14, v13  }
0x10c: {  	v18 =	vld [tilespmem:s2+$0x2DE0];
	v5 =	vadd.f32 v16, v5  }
0x10d: {  	[tilespmem:s10+$0x5060] =	vst v17;
	v14 =	vadd.f32 v14, v19  }
0x10e: {  	v16 =	vld [tilespmem:s0+$0xDE0];
	[tilespmem:s6+$0x4FE0] =	vst v5  }
0x10f: {  	v5 =	vld [tilespmem:s0+$0x2DE0];
	[tilespmem:s6+$0x5060] =	vst v14  }
0x110: {  	v17 =	vld [tilespmem:s22+$0xDE0]  }
0x111: {  	v11 =	vmul.f32 v11, v6;
	v14 =	vmul.f32 v18, v7;
	v18 =	vld [tilespmem:s22+$0x2DE0]  }
0x112: {  	v8 =	vadd.f32 v15, v8  }
0x113: {  	v11 =	vadd.f32 v14, v11  }
0x114: {  	s3 =	sor.u32 s11, s16;
	[tilespmem:s14+$0x4DE0] =	vst v8;
	v14 =	vmul.f32 v16, v3;
	v5 =	vmul.f32 v5, v4  }
0x115: {  	s26 =	sor.u32 $0x380, s3;
	v16 =	vld [tilespmem:s12+$0xDE0];
	[tilespmem:s2+$0x4DE0] =	vst v11  }
0x116: {  	v11 =	vld [tilespmem:s26+$0xDE0];
	v15 =	vmul.f32 v18, v13;
	v5 =	vadd.f32 v5, v14;
	v14 =	vmul.f32 v17, v12  }
0x117: {  	v8 =	vld [tilespmem:s26+$0x2DE0]  }
0x118: {  	v17 =	vld [tilespmem:s12+$0x2DE0];
	[tilespmem:s0+$0x4DE0] =	vst v5;
	v5 =	vadd.f32 v15, v14  }
0x119: {  	v14 =	vld [tilespmem:s1+$0xDE0]  }
0x11a: {  	v15 =	vld [tilespmem:s1+$0x2DE0];
	[tilespmem:s22+$0x4DE0] =	vst v5  }
0x11b: {  	v0 =	vmul.f32 v9, v0;
	v5 =	vld [tilespmem:s21+$0xDE0]  }
0x11c: {  	v6 =	vmul.f32 v11, v6;
	v7 =	vmul.f32 v8, v7;
	v18 =	vld [tilespmem:s21+$0x2DE0]  }
0x11d: {  	v0 =	vadd.f32 v0, v10;
	v1 =	vmul.f32 v16, v1;
	v2 =	vmul.f32 v17, v2  }
0x11e: {  	v6 =	vadd.f32 v7, v6  }
0x11f: {  	[tilespmem:s29+$0x4DE0] =	vst v0;
	v0 =	vadd.f32 v2, v1  }
0x120: {  	v3 =	vmul.f32 v14, v3;
	v4 =	vmul.f32 v15, v4;
	[tilespmem:s26+$0x4DE0] =	vst v6  }
0x121: {  	[tilespmem:s12+$0x4DE0] =	vst v0;
	v1 =	vmul.f32 v5, v12;
	v2 =	vmul.f32 v18, v13  }
0x122: {  	v3 =	vadd.f32 v4, v3;
	s0 =	rddreg [dreg:$0x8]  }
0x123: {  	s0 =	sor.u32 s0, s9;
	v0 =	vadd.f32 v2, v1  }
0x124: {  	s28 =	rddreg [dreg:$0x5];
	[tilespmem:s1+$0x4DE0] =	vst v3;
	s10 =	sshrl.u32 s0, $0x3  }
0x125: {  	s30 =	simm.s32 $0x4DE0;
	s0 =	sadd.s32 s28, s10;
	[tilespmem:s21+$0x4DE0] =	vst v0  }
0x126: {  	[hbm4b:s0+s7] =	stream.linear.scatter [tilespmem:s30], [sflag:$0x5], $0x1000, $0x38;
	[tilespmem:$0x6DE0] =	vst v63  }
0x127: {  	p1 =	seq.s32 s20, $0x3;
	s0 =	rddreg [dreg:$0xf]  }
0x128: {  	s0 =	sadd.s32 @!p1 s0, s9  }
0x129: {  	s1 =	rddreg [dreg:$0x0];
	s0 =	sshrl.u32 @!p1 s0, $0x3  }
0x12a: {  	s3 =	simm.s32 @!p1 $0xDE0;
	s2 =	simm.s32 @!p1 $0x0;
	s1 =	sadd.s32 @!p1 s1, s0  }
0x12b: {  	[tilespmem:s3], [sflag:$0x1] =	stream.linear.gather @!p1 [hbm4b:s1+s2], $0x1000, $0x38;
	[tilespmem:$0x6DE0] =	vst v63  }
0x12c: {  	s1 =	rddreg [dreg:$0x4]  }
0x12d: {  	s0 =	sadd.s32 @!p1 s1, s0;
	s1 =	simm.s32 @!p1 $0x2DE0  }
0x12e: {  	[tilespmem:s1], [sflag:$0x3] =	stream.linear.gather @!p1 [hbm4b:s0+s2], $0x1000, $0x38;
	[tilespmem:$0x6DE0] =	vst v63  }
0x12f: {  	s2 =	simm.s32 $0x2  }
0x130: {  	_ =	swait.ge [sflag:s2], $0x1000  }
0x131: {  	[sflag:s2] =	ssyncset.done $0x0  }
0x132: {  	[sflag:s2] =	ssyncadd.s32 $0xFFFFF000  }
0x133: {  	_ =	swait.ge [sflag:s31], $0x1000  }
0x134: {  	[sflag:s31] =	ssyncset.done $0x0  }
0x135: {  	s0 =	simm.s32 @!p0 $0x6;
	[sflag:s31] =	ssyncadd.s32 $0xFFFFF000  }
0x136: {  	_ =	swait.ge @!p0 [sflag:s0], $0x1000  }
0x137: {  	s13 =	simm.s32 $0x0;
	[sflag:s0] =	ssyncset.done @!p0 $0x0  }
0x138: {  	s6 =	simm.s32 $0x0;
	s3 =	simm.s32 $0x9F0;
	[sflag:s0] =	ssyncadd.s32 @!p0 $0xFFFFF000  }
0x139: {  	s17 =	simm.s32 $0xBF0;
	s5 =	sand.u32 $0xC00, s13;
	s18 =	sand.u32 $0x60, s6;
	v8 =	vld [tilespmem:s3+$0xFFFFFFF0]  }
0x13a: {  	s2 =	sor.u32 s18, s5;
	v9 =	vld [tilespmem:s17+$0xFFFFFFF0]  }
0x13b: {  	v0 =	vld [tilespmem:s2+$0x1DE0]  }
0x13c: {  	v1 =	vld [tilespmem:s2+$0x3DE0]  }
0x13d: {  	v2 =	vld [tilespmem:s2+$0x1E60]  }
0x13e: {  	v3 =	vld [tilespmem:s2+$0x3E60]  }
0x13f: {  	v4 =	vld [tilespmem:s2+$0x1EE0]  }
0x140: {  	v5 =	vld [tilespmem:s2+$0x3EE0];
	_ =	sdelay $0x2  }
0x141: {  	v0 =	vmul.f32 v0, v8;
	v1 =	vmul.f32 v1, v9  }
0x142: {  	v2 =	vmul.f32 v2, v8;
	v3 =	vmul.f32 v3, v9  }
0x143: {  	s14 =	simm.s32 $0x10;
	v0 =	vadd.f32 v1, v0;
	v1 =	vmul.f32 v4, v8;
	v4 =	vmul.f32 v5, v9  }
0x144: {  	s21 =	sand.u32 $0x70, s14;
	v2 =	vadd.f32 v3, v2  }
0x145: {  	s4 =	sor.u32 s5, s21;
	[tilespmem:s2+$0x5DE0] =	vst v0;
	v1 =	vadd.f32 v4, v1  }
0x146: {  	s22 =	sor.u32 s6, s5;
	v6 =	vld [tilespmem:s4+$0x1DE0];
	[tilespmem:s2+$0x5E60] =	vst v2  }
0x147: {  	s1 =	sor.u32 $0x1180, s22;
	v7 =	vld [tilespmem:s4+$0x3DE0];
	[tilespmem:s2+$0x5EE0] =	vst v1  }
0x148: {  	v1 =	vld [tilespmem:s1+$0xDE0]  }
0x149: {  	v4 =	vld [tilespmem:s1+$0x2DE0]  }
0x14a: {  	v3 =	vld [tilespmem:s4+$0x1EE0]  }
0x14b: {  	v5 =	vld [tilespmem:s3+$0x0]  }
0x14c: {  	v0 =	vld [tilespmem:s17+$0x0]  }
0x14d: {  	v2 =	vld [tilespmem:s4+$0x3EE0]  }
0x14e: {  	v1 =	vmul.f32 v1, v8;
	v4 =	vmul.f32 v4, v9  }
0x14f: {  	s22 =	simm.s32 $0x100;
	v10 =	vld [tilespmem:s4+$0x1E60];
	s3 =	simm.s32 $0x20  }
0x150: {  	s26 =	sand.u32 $0xC00, s22;
	v11 =	vld [tilespmem:s4+$0x3E60];
	s25 =	sand.u32 $0x60, s3;
	v1 =	vadd.f32 v4, v1  }
0x151: {  	s30 =	sor.u32 s25, s26;
	v6 =	vmul.f32 v6, v5;
	v3 =	vmul.f32 v3, v5  }
0x152: {  	v12 =	vld [tilespmem:s30+$0x1DE0];
	v7 =	vmul.f32 v7, v0;
	v2 =	vmul.f32 v2, v0;
	[tilespmem:s1+$0x4DE0] =	vst v1  }
0x153: {  	v1 =	vld [tilespmem:s2+$0x1FE0]  }
0x154: {  	v6 =	vadd.f32 v7, v6;
	v2 =	vadd.f32 v2, v3;
	v3 =	vld [tilespmem:s2+$0x3FE0]  }
0x155: {  	v10 =	vmul.f32 v10, v5;
	v11 =	vmul.f32 v11, v0;
	v4 =	vld [tilespmem:s2+$0x2060]  }
0x156: {  	[tilespmem:s4+$0x5DE0] =	vst v6;
	v6 =	vld [tilespmem:s2+$0x4060]  }
0x157: {  	v13 =	vld [tilespmem:s30+$0x3DE0];
	v7 =	vadd.f32 v11, v10  }
0x158: {  	s24 =	simm.s32 $0xA10;
	v14 =	vld [tilespmem:s30+$0x1E60]  }
0x159: {  	s23 =	sor.u32 s14, s5;
	s28 =	simm.s32 $0xC10;
	v10 =	vld [tilespmem:s24+$0xFFFFFFF0];
	[tilespmem:s4+$0x5E60] =	vst v7  }
0x15a: {  	s8 =	sor.u32 $0x1180, s23;
	v11 =	vld [tilespmem:s28+$0xFFFFFFF0];
	[tilespmem:s4+$0x5EE0] =	vst v2;
	v1 =	vmul.f32 v1, v8;
	v3 =	vmul.f32 v3, v9  }
0x15b: {  	v2 =	vld [tilespmem:s8+$0xDE0];
	v4 =	vmul.f32 v4, v8;
	v6 =	vmul.f32 v6, v9  }
0x15c: {  	s15 =	sand.u32 $0x3, s13;
	v7 =	vld [tilespmem:s8+$0x2DE0];
	v1 =	vadd.f32 v3, v1  }
0x15d: {  	s1 =	sshll.u32 s15, $0x5;
	v3 =	vld [tilespmem:s30+$0x3E60];
	v4 =	vadd.f32 v6, v4  }
0x15e: {  	s15 =	sadd.s32 $0x0, s1;
	v6 =	vld [tilespmem:s30+$0x1EE0];
	[tilespmem:s2+$0x5FE0] =	vst v1  }
0x15f: {  	s1 =	simm.s32 $0x30;
	s15 =	sor.u32 $0x1300, s15;
	v1 =	vld [tilespmem:s30+$0x3EE0];
	[tilespmem:s2+$0x6060] =	vst v4  }
0x160: {  	s16 =	sand.u32 $0x70, s1;
	v4 =	vld [tilespmem:s15+$0xDE0]  }
0x161: {  	s2 =	sor.u32 s26, s16;
	v15 =	vld [tilespmem:s15+$0x2DE0]  }
0x162: {  	v16 =	vld [tilespmem:s2+$0x1DE0]  }
0x163: {  	v12 =	vmul.f32 v12, v10;
	v13 =	vmul.f32 v13, v11;
	v17 =	vld [tilespmem:s2+$0x3DE0]  }
0x164: {  	v14 =	vmul.f32 v14, v10;
	v18 =	vld [tilespmem:s2+$0x1E60];
	v3 =	vmul.f32 v3, v11  }
0x165: {  	v12 =	vadd.f32 v13, v12;
	v19 =	vld [tilespmem:s2+$0x3E60];
	v6 =	vmul.f32 v6, v10;
	v13 =	vmul.f32 v1, v11  }
0x166: {  	v3 =	vadd.f32 v3, v14;
	v1 =	vld [tilespmem:s24+$0x0]  }
0x167: {  	v7 =	vmul.f32 v7, v0;
	[tilespmem:s30+$0x5DE0] =	vst v12;
	v14 =	vmul.f32 v2, v5;
	v2 =	vld [tilespmem:s28+$0x0];
	v6 =	vadd.f32 v13, v6  }
0x168: {  	s17 =	sor.u32 s3, s26;
	v12 =	vld [tilespmem:s2+$0x1EE0];
	[tilespmem:s30+$0x5E60] =	vst v3  }
0x169: {  	s11 =	sor.u32 $0x1180, s17;
	v3 =	vadd.f32 v7, v14;
	v7 =	vld [tilespmem:s2+$0x3EE0];
	[tilespmem:s30+$0x5EE0] =	vst v6  }
0x16a: {  	v6 =	vld [tilespmem:s11+$0xDE0]  }
0x16b: {  	[tilespmem:s8+$0x4DE0] =	vst v3;
	v3 =	vmul.f32 v4, v8;
	v4 =	vmul.f32 v15, v9;
	v13 =	vld [tilespmem:s11+$0x2DE0]  }
0x16c: {  	v14 =	vmul.f32 v16, v1;
	v15 =	vmul.f32 v17, v2;
	v20 =	vld [tilespmem:s4+$0x1FE0]  }
0x16d: {  	v16 =	vmul.f32 v19, v2;
	v3 =	vadd.f32 v4, v3;
	v4 =	vmul.f32 v18, v1;
	v18 =	vld [tilespmem:s4+$0x3FE0]  }
0x16e: {  	s0 =	sor.u32 s6, s13;
	v14 =	vadd.f32 v15, v14;
	v15 =	vld [tilespmem:s4+$0x2060]  }
0x16f: {  	s0 =	sor.u32 $0x1380, s0;
	v12 =	vmul.f32 v12, v1;
	v7 =	vmul.f32 v7, v2;
	[tilespmem:s15+$0x4DE0] =	vst v3;
	v3 =	vadd.f32 v16, v4;
	v4 =	vld [tilespmem:s4+$0x4060]  }
0x170: {  	s16 =	simm.s32 $0x200;
	s15 =	simm.s32 $0x40;
	v16 =	vld [tilespmem:s0+$0xDE0]  }
0x171: {  	s17 =	simm.s32 $0xA30;
	s12 =	sand.u32 $0xC00, s16;
	v7 =	vadd.f32 v7, v12;
	[tilespmem:s2+$0x5DE0] =	vst v14;
	v17 =	vld [tilespmem:s0+$0x2DE0];
	s21 =	sand.u32 $0x60, s15;
	v6 =	vmul.f32 v6, v10;
	v12 =	vmul.f32 v13, v11  }
0x172: {  	s6 =	sor.u32 s1, s26;
	v14 =	vld [tilespmem:s17+$0xFFFFFFF0];
	[tilespmem:s2+$0x5E60] =	vst v3;
	s21 =	sor.u32 s21, s12  }
0x173: {  	s6 =	sor.u32 $0x1180, s6;
	[tilespmem:s2+$0x5EE0] =	vst v7;
	v21 =	vld [tilespmem:s21+$0x1E60];
	v3 =	vadd.f32 v12, v6  }
0x174: {  	v7 =	vmul.f32 v18, v0;
	v6 =	vmul.f32 v20, v5;
	v12 =	vld [tilespmem:s6+$0xDE0]  }
0x175: {  	v19 =	vld [tilespmem:s6+$0x2DE0];
	[tilespmem:s11+$0x4DE0] =	vst v3  }
0x176: {  	v3 =	vmul.f32 v4, v0;
	v4 =	vadd.f32 v7, v6;
	v6 =	vld [tilespmem:s30+$0x1FE0]  }
0x177: {  	v13 =	vmul.f32 v15, v5;
	v7 =	vld [tilespmem:s30+$0x3FE0]  }
0x178: {  	s18 =	sand.u32 $0x7, s13;
	[tilespmem:s4+$0x5FE0] =	vst v4;
	v4 =	vld [tilespmem:s30+$0x2060]  }
0x179: {  	s8 =	sshll.u32 s18, $0x4;
	s18 =	simm.s32 $0xC30;
	v3 =	vadd.f32 v3, v13;
	v13 =	vld [tilespmem:s30+$0x4060]  }
0x17a: {  	s8 =	sadd.s32 $0x0, s8;
	v15 =	vld [tilespmem:s18+$0xFFFFFFF0]  }
0x17b: {  	s23 =	simm.s32 $0x1;
	s8 =	sadd.s32 $0x10, s8;
	v20 =	vld [tilespmem:s21+$0x3DE0]  }
0x17c: {  	s8 =	sor.u32 $0x1300, s8;
	[tilespmem:s4+$0x6060] =	vst v3;
	v3 =	vld [tilespmem:s21+$0x1DE0];
	s4 =	sand.u32 $0x3, s23  }
0x17d: {  	v18 =	vld [tilespmem:s8+$0xDE0];
	s4 =	sshll.u32 s4, $0x5;
	v6 =	vmul.f32 v6, v10;
	v7 =	vmul.f32 v7, v11  }
0x17e: {  	v43 =	vld [tilespmem:s8+$0x2DE0];
	s24 =	sadd.s32 $0x100, s4;
	s4 =	simm.s32 $0x50;
	v4 =	vmul.f32 v4, v10;
	v13 =	vmul.f32 v13, v11  }
0x17f: {  	s26 =	sand.u32 $0x70, s4;
	v6 =	vadd.f32 v7, v6;
	v7 =	vld [tilespmem:s21+$0x3E60]  }
0x180: {  	s11 =	sor.u32 s12, s26;
	v4 =	vadd.f32 v13, v4;
	v13 =	vld [tilespmem:s21+$0x1EE0]  }
0x181: {  	v24 =	vld [tilespmem:s11+$0x1DE0]  }
0x182: {  	[tilespmem:s30+$0x5FE0] =	vst v6;
	v6 =	vld [tilespmem:s21+$0x3EE0]  }
0x183: {  	v25 =	vld [tilespmem:s11+$0x1E60]  }
0x184: {  	v26 =	vld [tilespmem:s11+$0x3E60]  }
0x185: {  	s25 =	sor.u32 $0x1300, s24;
	v3 =	vmul.f32 v3, v14;
	[tilespmem:s30+$0x6060] =	vst v4;
	v4 =	vmul.f32 v20, v15;
	v20 =	vld [tilespmem:s11+$0x3DE0]  }
0x186: {  	v21 =	vmul.f32 v21, v14;
	v22 =	vld [tilespmem:s25+$0xDE0];
	v7 =	vmul.f32 v7, v15  }
0x187: {  	v23 =	vld [tilespmem:s25+$0x2DE0];
	v4 =	vadd.f32 v4, v3;
	v13 =	vmul.f32 v13, v14;
	v6 =	vmul.f32 v6, v15  }
0x188: {  	v3 =	vld [tilespmem:s17+$0x0];
	v7 =	vadd.f32 v7, v21  }
0x189: {  	v12 =	vmul.f32 v12, v1;
	v19 =	vmul.f32 v19, v2;
	[tilespmem:s21+$0x5DE0] =	vst v4;
	v4 =	vld [tilespmem:s18+$0x0];
	v6 =	vadd.f32 v6, v13  }
0x18a: {  	s28 =	sor.u32 s15, s12;
	v13 =	vld [tilespmem:s11+$0x1EE0];
	[tilespmem:s21+$0x5E60] =	vst v7  }
0x18b: {  	s30 =	sor.u32 $0x1180, s28;
	v7 =	vadd.f32 v19, v12;
	v12 =	vld [tilespmem:s11+$0x3EE0];
	[tilespmem:s21+$0x5EE0] =	vst v6  }
0x18c: {  	v6 =	vld [tilespmem:s30+$0xDE0]  }
0x18d: {  	v19 =	vmul.f32 v23, v11;
	[tilespmem:s6+$0x4DE0] =	vst v7;
	v7 =	vmul.f32 v22, v10;
	v36 =	vld [tilespmem:s30+$0x2DE0]  }
0x18e: {  	v37 =	vmul.f32 v24, v3;
	v20 =	vmul.f32 v20, v4;
	v38 =	vld [tilespmem:s2+$0x1FE0]  }
0x18f: {  	s3 =	sor.u32 s3, s22;
	v39 =	vmul.f32 v26, v4;
	v40 =	vld [tilespmem:s2+$0x3FE0];
	v7 =	vadd.f32 v19, v7;
	v19 =	vmul.f32 v25, v3  }
0x190: {  	s17 =	sor.u32 $0x1380, s3;
	s6 =	sor.u32 s4, s12;
	s12 =	simm.s32 $0x2;
	v41 =	vld [tilespmem:s2+$0x2060];
	v13 =	vmul.f32 v13, v3  }
0x191: {  	s3 =	sand.u32 $0x7, s12;
	s12 =	simm.s32 $0x60;
	v12 =	vmul.f32 v12, v4;
	v20 =	vadd.f32 v20, v37;
	[tilespmem:s25+$0x4DE0] =	vst v7;
	v7 =	vadd.f32 v39, v19;
	v19 =	vld [tilespmem:s2+$0x4060];
	s25 =	simm.s32 $0x300  }
0x192: {  	s18 =	sand.u32 $0x60, s12;
	v42 =	vld [tilespmem:s17+$0xDE0];
	s23 =	sand.u32 $0xC00, s25  }
0x193: {  	v12 =	vadd.f32 v12, v13;
	[tilespmem:s11+$0x5DE0] =	vst v20;
	v20 =	vld [tilespmem:s17+$0x2DE0];
	v6 =	vmul.f32 v6, v14;
	v13 =	vmul.f32 v36, v15;
	s18 =	sor.u32 s18, s23  }
0x194: {  	[tilespmem:s11+$0x5E60] =	vst v7;
	v27 =	vld [tilespmem:s18+$0x1DE0]  }
0x195: {  	s24 =	sor.u32 $0x1180, s6;
	[tilespmem:s11+$0x5EE0] =	vst v12;
	v28 =	vld [tilespmem:s18+$0x3DE0];
	v6 =	vadd.f32 v13, v6  }
0x196: {  	v7 =	vmul.f32 v38, v1;
	v12 =	vmul.f32 v40, v2;
	v13 =	vld [tilespmem:s24+$0xDE0]  }
0x197: {  	v44 =	vld [tilespmem:s24+$0x2DE0];
	[tilespmem:s30+$0x4DE0] =	vst v6  }
0x198: {  	v7 =	vadd.f32 v12, v7;
	v12 =	vld [tilespmem:s21+$0x1FE0]  }
0x199: {  	v45 =	vld [tilespmem:s21+$0x3FE0]  }
0x19a: {  	v46 =	vld [tilespmem:s21+$0x2060]  }
0x19b: {  	v47 =	vld [tilespmem:s21+$0x4060]  }
0x19c: {  	v22 =	vmul.f32 v41, v1;
	v29 =	vld [tilespmem:s18+$0x1E60];
	v6 =	vmul.f32 v19, v2  }
0x19d: {  	s3 =	sshll.u32 s3, $0x4;
	v48 =	vld [tilespmem:s18+$0x3E60]  }
0x19e: {  	s6 =	simm.s32 $0xC50;
	s3 =	sadd.s32 $0x100, s3;
	v49 =	vld [tilespmem:s18+$0x1EE0];
	v6 =	vadd.f32 v6, v22;
	v53 =	vmul.f32 v13, v3;
	v23 =	vmul.f32 v44, v4  }
0x19f: {  	s3 =	sadd.s32 $0x10, s3;
	[tilespmem:s2+$0x5FE0] =	vst v7;
	v7 =	vld [tilespmem:s6+$0xFFFFFFF0];
	v12 =	vmul.f32 v12, v14;
	v25 =	vmul.f32 v45, v15  }
0x1a0: {  	s5 =	sor.u32 $0x1300, s3;
	s3 =	simm.s32 $0x2;
	v13 =	vld [tilespmem:s6+$0x0];
	[tilespmem:s2+$0x6060] =	vst v6;
	v23 =	vadd.f32 v23, v53;
	v22 =	vmul.f32 v46, v14;
	v26 =	vmul.f32 v47, v15  }
0x1a1: {  	s26 =	sand.u32 $0x3, s3;
	s2 =	simm.s32 $0xA50;
	v19 =	vld [tilespmem:s5+$0xDE0];
	v12 =	vadd.f32 v25, v12  }
0x1a2: {  	s26 =	sshll.u32 s26, $0x5;
	v6 =	vld [tilespmem:s2+$0xFFFFFFF0];
	[tilespmem:s24+$0x4DE0] =	vst v23;
	v22 =	vadd.f32 v26, v22  }
0x1a3: {  	s26 =	sadd.s32 $0x200, s26;
	v58 =	vld [tilespmem:s11+$0x1FE0];
	[tilespmem:s21+$0x5FE0] =	vst v12  }
0x1a4: {  	s29 =	simm.s32 $0x70;
	s28 =	sor.u32 $0x1300, s26;
	v12 =	vld [tilespmem:s18+$0x3EE0];
	[tilespmem:s21+$0x6060] =	vst v22  }
0x1a5: {  	s26 =	sand.u32 $0x70, s29;
	v22 =	vld [tilespmem:s28+$0xDE0]  }
0x1a6: {  	s21 =	sor.u32 s23, s26;
	v30 =	vld [tilespmem:s28+$0x2DE0]  }
0x1a7: {  	v28 =	vmul.f32 v28, v7;
	v27 =	vmul.f32 v27, v6;
	v31 =	vld [tilespmem:s21+$0x1DE0]  }
0x1a8: {  	v25 =	vmul.f32 v48, v7;
	v29 =	vmul.f32 v29, v6;
	v32 =	vld [tilespmem:s21+$0x3DE0]  }
0x1a9: {  	v26 =	vmul.f32 v49, v6;
	v33 =	vld [tilespmem:s21+$0x1E60];
	v27 =	vadd.f32 v28, v27;
	v12 =	vmul.f32 v12, v7  }
0x1aa: {  	v50 =	vld [tilespmem:s21+$0x3E60];
	v25 =	vadd.f32 v25, v29  }
0x1ab: {  	v51 =	vld [tilespmem:s21+$0x1EE0];
	[tilespmem:s18+$0x5DE0] =	vst v27;
	v22 =	vmul.f32 v22, v14;
	v30 =	vmul.f32 v30, v15;
	v26 =	vadd.f32 v12, v26  }
0x1ac: {  	s30 =	sor.u32 s12, s23;
	[tilespmem:s18+$0x5E60] =	vst v25;
	v12 =	vld [tilespmem:s2+$0x0]  }
0x1ad: {  	s26 =	sor.u32 $0x1180, s30;
	v52 =	vld [tilespmem:s21+$0x3EE0];
	v22 =	vadd.f32 v30, v22;
	[tilespmem:s18+$0x5EE0] =	vst v26  }
0x1ae: {  	s15 =	sor.u32 s15, s16;
	v54 =	vld [tilespmem:s26+$0xDE0]  }
0x1af: {  	s15 =	sor.u32 $0x1380, s15;
	v8 =	vmul.f32 v16, v8;
	v9 =	vmul.f32 v17, v9;
	[tilespmem:s28+$0x4DE0] =	vst v22;
	v56 =	vld [tilespmem:s26+$0x2DE0]  }
0x1b0: {  	v17 =	vmul.f32 v18, v5;
	v18 =	vmul.f32 v43, v0;
	v55 =	vld [tilespmem:s15+$0xDE0]  }
0x1b1: {  	v8 =	vadd.f32 v9, v8;
	v57 =	vmul.f32 v32, v13;
	v16 =	vld [tilespmem:s15+$0x2DE0];
	v9 =	vmul.f32 v31, v12  }
0x1b2: {  	v17 =	vadd.f32 v18, v17;
	v59 =	vld [tilespmem:s11+$0x3FE0];
	v28 =	vmul.f32 v50, v13;
	v18 =	vmul.f32 v33, v12  }
0x1b3: {  	s1 =	sor.u32 s1, s22;
	s22 =	simm.s32 $0x6;
	[tilespmem:s0+$0x4DE0] =	vst v8;
	v60 =	vld [tilespmem:s11+$0x2060];
	v27 =	vmul.f32 v52, v13;
	v8 =	vmul.f32 v51, v12;
	v9 =	vadd.f32 v57, v9  }
0x1b4: {  	[tilespmem:s8+$0x4DE0] =	vst v17;
	s8 =	sand.u32 $0x7, s22;
	v10 =	vmul.f32 v42, v10;
	v11 =	vmul.f32 v20, v11;
	v20 =	vld [tilespmem:s11+$0x4060];
	s28 =	sor.u32 s14, s13;
	v17 =	vadd.f32 v28, v18  }
0x1b5: {  	s4 =	sor.u32 s4, s16;
	v61 =	vld [tilespmem:s5+$0x2DE0];
	s30 =	simm.s32 $0x4;
	s0 =	sor.u32 $0x1380, s28;
	v8 =	vadd.f32 v27, v8;
	v18 =	vmul.f32 v54, v6;
	v21 =	vmul.f32 v56, v7;
	[tilespmem:s21+$0x5DE0] =	vst v9  }
0x1b6: {  	v10 =	vadd.f32 v11, v10;
	s24 =	sshll.u32 s8, $0x4;
	s23 =	sor.u32 s29, s23;
	s14 =	sand.u32 $0x7, s30;
	v62 =	vld [tilespmem:s0+$0xDE0];
	v11 =	vmul.f32 v55, v14;
	v14 =	vmul.f32 v16, v15;
	[tilespmem:s21+$0x5E60] =	vst v17  }
0x1b7: {  	s8 =	sor.u32 $0x1180, s23;
	s13 =	sor.u32 $0x1380, s1;
	s1 =	sshll.u32 s14, $0x4;
	v15 =	vmul.f32 v58, v3;
	[tilespmem:s21+$0x5EE0] =	vst v8;
	v8 =	vmul.f32 v59, v4;
	v9 =	vld [tilespmem:s0+$0x2DE0];
	v17 =	vadd.f32 v21, v18  }
0x1b8: {  	[tilespmem:s17+$0x4DE0] =	vst v10;
	s17 =	simm.s32 $0x8;
	s28 =	sadd.s32 $0x300, s24;
	s1 =	sadd.s32 $0x200, s1;
	v16 =	vld [tilespmem:s8+$0xDE0];
	v10 =	vadd.f32 v14, v11  }
0x1b9: {  	v63 =	vmul.f32 v60, v3;
	v20 =	vmul.f32 v20, v4;
	s30 =	sor.u32 s29, s25;
	s14 =	sadd.s32 $0x10, s28;
	s1 =	sadd.s32 $0x10, s1;
	v18 =	vld [tilespmem:s8+$0x2DE0];
	[tilespmem:s26+$0x4DE0] =	vst v17;
	v17 =	vadd.f32 v8, v15  }
0x1ba: {  	s16 =	sor.u32 $0x1300, s14;
	s14 =	sor.u32 $0x1380, s30;
	s22 =	sor.u32 $0x1300, s1;
	v8 =	vmul.f32 v19, v1;
	v15 =	vmul.f32 v61, v2;
	[tilespmem:s15+$0x4DE0] =	vst v10;
	v11 =	vld [tilespmem:s18+$0x1FE0]  }
0x1bb: {  	s1 =	sor.u32 $0x1380, s4;
	s4 =	simm.s32 $0x300;
	s15 =	simm.s32 $0x6;
	v14 =	vld [tilespmem:s18+$0x3FE0];
	v10 =	vmul.f32 v62, v5;
	[tilespmem:s11+$0x5FE0] =	vst v17;
	v17 =	vadd.f32 v20, v63  }
.LBB2_7:
0x1bc: {  	s23 =	sand.u32 $0x7, s17;
	v19 =	vld [tilespmem:s18+$0x2060];
	v8 =	vadd.f32 v15, v8;
	v9 =	vmul.f32 v9, v0;
	v5 =	vmovc v12;
	v0 =	vmovc v2;
	v2 =	vmov v4  }
0x1bd: {  	s29 =	sadd.s32 $0x20, s29;
	v4 =	vmov v13;
	s26 =	sshll.u32 s23, $0x4;
	v12 =	vld [tilespmem:s18+$0x4060];
	v15 =	vmul.f32 v16, v5;
	[tilespmem:s11+$0x6060] =	vst v17;
	s11 =	smov.u32 s21  }
0x1be: {  	s2 =	sadd.s32 $0x20, s2;
	s25 =	sadd.s32 $0x100, s25;
	s23 =	sadd.s32 $0xFFFFFFF0, s29;
	v13 =	vmul.f32 v18, v4;
	v16 =	vld [tilespmem:s22+$0xDE0];
	[tilespmem:s5+$0x4DE0] =	vst v8;
	v8 =	vadd.f32 v9, v10  }
0x1bf: {  	s6 =	sadd.s32 $0x20, s6;
	s24 =	sand.u32 $0xC00, s25;
	s5 =	sand.u32 $0x60, s23;
	v9 =	vld [tilespmem:s2+$0xFFFFFFF0]  }
0x1c0: {  	s30 =	sor.u32 s29, s24;
	s28 =	sor.u32 s5, s24;
	s5 =	sand.u32 $0x70, s29;
	v10 =	vld [tilespmem:s6+$0xFFFFFFF0];
	v13 =	vadd.f32 v13, v15;
	[tilespmem:s0+$0x4DE0] =	vst v8  }
0x1c1: {  	s0 =	sadd.s32 s25, s26;
	s21 =	sor.u32 s24, s5;
	s5 =	sor.u32 $0x1180, s30;
	v8 =	vmul.f32 v11, v6;
	v11 =	vmul.f32 v14, v7;
	v15 =	vld [tilespmem:s28+$0x1DE0]  }
0x1c2: {  	s3 =	sadd.s32 $0x1, s3;
	s26 =	sor.u32 s29, s25;
	s0 =	sadd.s32 $0x10, s0;
	v17 =	vmul.f32 v19, v6;
	v14 =	vld [tilespmem:s28+$0x3DE0];
	v12 =	vmul.f32 v12, v7;
	[tilespmem:s8+$0x4DE0] =	vst v13  }
0x1c3: {  	s26 =	sor.u32 $0x1380, s26;
	s0 =	sor.u32 $0x1300, s0;
	s8 =	sand.u32 $0x3, s3;
	v11 =	vadd.f32 v11, v8;
	v13 =	vld [tilespmem:s28+$0x1E60];
	v8 =	vmul.f32 v16, v3  }
0x1c4: {  	s30 =	sshll.u32 s8, $0x5;
	s8 =	smov.u32 s5;
	s5 =	smov.u32 s22;
	v16 =	vld [tilespmem:s28+$0x3E60];
	v12 =	vadd.f32 v12, v17  }
0x1c5: {  	s22 =	smov.u32 s16;
	s16 =	smov.u32 s0;
	s30 =	sadd.s32 s30, s4;
	v17 =	vld [tilespmem:s28+$0x1EE0];
	[tilespmem:s18+$0x5FE0] =	vst v11  }
0x1c6: {  	s0 =	smov.u32 s13;
	s30 =	sor.u32 $0x1300, s30;
	v11 =	vld [tilespmem:s28+$0x3EE0];
	[tilespmem:s18+$0x6060] =	vst v12;
	s18 =	smov.u32 s28  }
0x1c7: {  	s13 =	smov.u32 s1;
	s1 =	smov.u32 s14;
	s14 =	smov.u32 s26;
	v12 =	vld [tilespmem:s30+$0xDE0]  }
0x1c8: {  	v18 =	vld [tilespmem:s30+$0x2DE0]  }
0x1c9: {  	v19 =	vld [tilespmem:s21+$0x1DE0]  }
0x1ca: {  	v15 =	vmul.f32 v15, v9;
	v14 =	vmul.f32 v14, v10;
	v20 =	vld [tilespmem:s21+$0x3DE0]  }
0x1cb: {  	v13 =	vmul.f32 v13, v9;
	v16 =	vmul.f32 v16, v10;
	v21 =	vld [tilespmem:s21+$0x1E60]  }
0x1cc: {  	s15 =	sadd.s32 $0x2, s15;
	v14 =	vadd.f32 v14, v15;
	v15 =	vmul.f32 v17, v9;
	v11 =	vmul.f32 v11, v10;
	v17 =	vld [tilespmem:s21+$0x3E60]  }
0x1cd: {  	p0 =	slt.u32 s15, $0x1E;
	v13 =	vadd.f32 v16, v13;
	v22 =	vmul.f32 v12, v6;
	v16 =	vld [tilespmem:s21+$0x1EE0];
	v18 =	vmul.f32 v18, v7  }
0x1ce: {  	v11 =	vadd.f32 v11, v15;
	[tilespmem:s18+$0x5DE0] =	vst v14;
	v14 =	vld [tilespmem:s21+$0x3EE0]  }
0x1cf: {  	s24 =	sor.u32 s23, s24;
	[tilespmem:s18+$0x5E60] =	vst v13;
	v12 =	vld [tilespmem:s2+$0x0];
	v15 =	vadd.f32 v18, v22  }
0x1d0: {  	s24 =	sor.u32 $0x1180, s24;
	s4 =	sor.u32 s12, s4;
	s12 =	smov.u32 s23;
	[tilespmem:s18+$0x5EE0] =	vst v11;
	v13 =	vld [tilespmem:s6+$0x0]  }
0x1d1: {  	s23 =	sor.u32 $0x1380, s4;
	s4 =	smov.u32 s25;
	v11 =	vld [tilespmem:s24+$0xDE0];
	[tilespmem:s30+$0x4DE0] =	vst v15  }
0x1d2: {  	v15 =	vld [tilespmem:s23+$0xDE0]  }
0x1d3: {  	v18 =	vld [tilespmem:s23+$0x2DE0]  }
0x1d4: {  	v22 =	vld [tilespmem:s24+$0x2DE0];
	v19 =	vmul.f32 v19, v12;
	v21 =	vmul.f32 v21, v12  }
0x1d5: {  	v20 =	vmul.f32 v20, v13;
	v17 =	vmul.f32 v17, v13;
	v23 =	vld [tilespmem:s11+$0x1FE0]  }
0x1d6: {  	v16 =	vmul.f32 v16, v12;
	v14 =	vmul.f32 v14, v13;
	v24 =	vld [tilespmem:s11+$0x3FE0]  }
0x1d7: {  	v19 =	vadd.f32 v20, v19;
	v17 =	vadd.f32 v17, v21;
	v20 =	vld [tilespmem:s11+$0x2060]  }
0x1d8: {  	v14 =	vadd.f32 v14, v16;
	v15 =	vmul.f32 v15, v6;
	v6 =	vmovc v9;
	v16 =	vmul.f32 v18, v7;
	v21 =	vld [tilespmem:s11+$0x4060]  }
0x1d9: {  	v9 =	vmul.f32 v11, v6;
	v7 =	vmov v10;
	v11 =	vmul.f32 v22, v10;
	[tilespmem:s21+$0x5DE0] =	vst v19;
	v19 =	vld [tilespmem:s5+$0x2DE0]  }
0x1da: {  	[tilespmem:s21+$0x5E60] =	vst v17;
	v10 =	vadd.f32 v16, v15;
	v15 =	vmul.f32 v23, v5;
	v22 =	vld [tilespmem:s0+$0xDE0]  }
.Ltmp4:
0x1db: {  	v11 =	vadd.f32 v11, v9;
	[tilespmem:s21+$0x5EE0] =	vst v14;
	v14 =	vmul.f32 v24, v4;
	v9 =	vld [tilespmem:s0+$0x2DE0];
	(pc) =	sbr.rel @p0 .LBB2_7-.Ltmp4, $4  }
0x1dc: {  	v16 =	vld [tilespmem:s8+$0xDE0];
	[tilespmem:s23+$0x4DE0] =	vst v10;
	v10 =	vmul.f32 v20, v5  }
0x1dd: {  	[tilespmem:s24+$0x4DE0] =	vst v11;
	v18 =	vld [tilespmem:s8+$0x2DE0];
	v17 =	vadd.f32 v14, v15;
	v20 =	vmul.f32 v21, v4  }
0x1de: {  	v11 =	vld [tilespmem:s18+$0x1FE0];
	v15 =	vmul.f32 v19, v2  }
0x1df: {  	s17 =	sadd.s32 $0x2, s17;
	v14 =	vld [tilespmem:s18+$0x3FE0];
	[tilespmem:s11+$0x5FE0] =	vst v17;
	v17 =	vadd.f32 v20, v10;
	v10 =	vmul.f32 v22, v1;
	v1 =	vmovc v3;
	v3 =	vmov v5  }
0x1e0: {  	_ =	sdelay $0x1  }
0x1e1: {  	v5 =	vmul.f32 v16, v12;
	v36 =	vmul.f32 v18, v13;
	_ =	sdelay $0x1  }
0x1e2: {  	v5 =	vadd.f32 v36, v5  }
0x1e3: {  	v37 =	vld [tilespmem:s18+$0x2060]  }
0x1e4: {  	v19 =	vld [tilespmem:s18+$0x4060];
	[tilespmem:s8+$0x4DE0] =	vst v5  }
0x1e5: {  	v5 =	vld [tilespmem:s21+$0x1FE0]  }
0x1e6: {  	v38 =	vld [tilespmem:s21+$0x3FE0]  }
0x1e7: {  	v20 =	vld [tilespmem:s21+$0x2060]  }
0x1e8: {  	v11 =	vmul.f32 v11, v6;
	v14 =	vmul.f32 v14, v7;
	v39 =	vld [tilespmem:s21+$0x4060]  }
0x1e9: {  	s2 =	sadd.s32 $0x1, s3;
	v18 =	vmul.f32 v37, v6;
	v19 =	vmul.f32 v19, v7  }
0x1ea: {  	s2 =	sand.u32 $0x3, s2;
	v11 =	vadd.f32 v14, v11  }
0x1eb: {  	s2 =	sshll.u32 s2, $0x5;
	v18 =	vadd.f32 v19, v18  }
0x1ec: {  	s2 =	sadd.s32 s2, s4;
	[tilespmem:s18+$0x5FE0] =	vst v11;
	v5 =	vmul.f32 v5, v12;
	v16 =	vmul.f32 v38, v13  }
0x1ed: {  	s2 =	sor.u32 $0x1300, s2;
	[tilespmem:s18+$0x6060] =	vst v18;
	v40 =	vmul.f32 v20, v12;
	v14 =	vmul.f32 v39, v13  }
0x1ee: {  	v11 =	vld [tilespmem:s2+$0xDE0];
	v5 =	vadd.f32 v16, v5  }
0x1ef: {  	[tilespmem:s11+$0x6060] =	vst v17;
	v18 =	vld [tilespmem:s2+$0x2DE0];
	v14 =	vadd.f32 v14, v40  }
0x1f0: {  	v41 =	vld [tilespmem:s22+$0xDE0];
	[tilespmem:s21+$0x5FE0] =	vst v5  }
0x1f1: {  	v42 =	vld [tilespmem:s22+$0x2DE0];
	[tilespmem:s21+$0x6060] =	vst v14  }
0x1f2: {  	v44 =	vld [tilespmem:s16+$0xDE0]  }
0x1f3: {  	v45 =	vld [tilespmem:s16+$0x2DE0]  }
0x1f4: {  	v8 =	vadd.f32 v15, v8;
	v11 =	vmul.f32 v11, v6;
	v43 =	vmul.f32 v18, v7;
	_ =	sdelay $0x1  }
0x1f5: {  	[tilespmem:s5+$0x4DE0] =	vst v8;
	v46 =	vmul.f32 v41, v3;
	v5 =	vmul.f32 v42, v4;
	v11 =	vadd.f32 v43, v11  }
0x1f6: {  	s28 =	sor.u32 s12, s4;
	v50 =	vld [tilespmem:s13+$0xDE0]  }
0x1f7: {  	s29 =	sor.u32 $0x1380, s28;
	v51 =	vld [tilespmem:s13+$0x2DE0];
	v5 =	vadd.f32 v5, v46;
	[tilespmem:s2+$0x4DE0] =	vst v11;
	v48 =	vmul.f32 v44, v12;
	v49 =	vmul.f32 v45, v13  }
0x1f8: {  	v11 =	vld [tilespmem:s29+$0xDE0]  }
0x1f9: {  	v47 =	vld [tilespmem:s29+$0x2DE0];
	[tilespmem:s22+$0x4DE0] =	vst v5;
	v52 =	vadd.f32 v49, v48  }
0x1fa: {  	v53 =	vld [tilespmem:s1+$0xDE0]  }
0x1fb: {  	v54 =	vld [tilespmem:s1+$0x2DE0];
	[tilespmem:s16+$0x4DE0] =	vst v52  }
0x1fc: {  	v5 =	vld [tilespmem:s14+$0xDE0]  }
0x1fd: {  	v55 =	vld [tilespmem:s14+$0x2DE0]  }
0x1fe: {  	v0 =	vmul.f32 v9, v0  }
0x1ff: {  	v1 =	vmul.f32 v50, v1;
	v2 =	vmul.f32 v51, v2  }
0x200: {  	v0 =	vadd.f32 v0, v10;
	v56 =	vmul.f32 v11, v6;
	v57 =	vmul.f32 v47, v7  }
0x201: {  	v60 =	vadd.f32 v2, v1;
	v58 =	vmul.f32 v53, v3;
	v59 =	vmul.f32 v54, v4  }
0x202: {  	[tilespmem:s0+$0x4DE0] =	vst v0;
	v6 =	vadd.f32 v57, v56;
	v61 =	vmul.f32 v5, v12;
	v62 =	vmul.f32 v55, v13  }
0x203: {  	[tilespmem:s13+$0x4DE0] =	vst v60;
	v3 =	vadd.f32 v59, v58  }
0x204: {  	[tilespmem:s29+$0x4DE0] =	vst v6;
	v63 =	vadd.f32 v62, v61  }
.Ltmp5:
0x205: {  	[tilespmem:s1+$0x4DE0] =	vst v3;
	(pc) =	sbr.rel @p1 .LBB2_10-.Ltmp5, $4  }
0x206: {  	[tilespmem:s14+$0x4DE0] =	vst v63  }
0x207: {  	s0 =	rddreg [dreg:$0x11]  }
0x208: {  	s30 =	simm.s32 $0x5DE0;
	s0 =	sadd.s32 s10, s0  }
0x209: {  	[hbm4b:s0+s7] =	stream.linear.scatter [tilespmem:s30], [sflag:$0x6], $0x1000, $0x38;
	[tilespmem:$0x6DE0] =	vst v63  }
0x20a: {  	s0 =	rddreg [dreg:$0x10]  }
0x20b: {  	s0 =	sadd.s32 s0, s9  }
.Ltmp6:
0x20c: {  	s1 =	rddreg [dreg:$0x0];
	s0 =	sshrl.u32 s0, $0x3;
	(pc) =	sbr.rel .LBB2_4-.Ltmp6, $4  }
0x20d: {  	s2 =	simm.s32 $0x1DE0;
	s29 =	rddreg [dreg:$0x4];
	s1 =	sadd.s32 s1, s0  }
0x20e: {  	[tilespmem:s2], [sflag:$0x2] =	stream.linear.gather [hbm4b:s1+s7], $0x1000, $0x38;
	[tilespmem:$0x6DE0] =	vst v63  }
0x20f: {  	s30 =	simm.s32 $0x3DE0;
	s20 =	sadd.s32 $0x1, s20;
	s0 =	sadd.s32 s29, s0  }
0x210: {  	[tilespmem:s30], [sflag:$0x4] =	stream.linear.gather [hbm4b:s0+s7], $0x1000, $0x38;
	[tilespmem:$0x6DE0] =	vst v63  }
.LBB2_11:
0x211: {  	_ =	sfence.sel $0x180000  }
0x212: {  	[bflag:$0x0] =	sbarrier.arrive $0xFFFF  }
0x213: {  	_ =	strace $0x90000047  }
0x214: {  	s0 =	stileid.u32;
	[bflag:$0x2] =	sbarrier.arrive $0xFFFF  }
0x215: {  	p0 =	sne.s32 s0, $0x0;
	s0 =	rddreg [dreg:$0x7]  }
0x216: {  	s0 =	sadd.s32 @!p0 $0x100000, s0  }
0x217: {  	[sflag:s0] =	ssyncadd.tile.s32 @!p0 $0x1;
	_ =	shalt  }
.Lfunc_end2:
_tile_overlayer_lowered:
.L_overlay_start_2:
0x218: {  	(tag) =	ssettag $0x2  }
0x219: {  	s0 =	rddreg [dreg:$0x0];
	s2 =	stileid.u32  }
0x21a: {  	s1 =	rddreg [dreg:$0x1];
	p0 =	sne.s32 s2, $0x0  }
0x21b: {  	s3 =	rddreg [dreg:$0x2];
	[bflag:$0x3] =	sbarrier.arrive $0xFFFF;
	s2 =	simm.s32 @!p0 $0x1C08  }
0x21c: {  	[timem:s3], [sflag:s2] =	dma.local @!p0 [hbm:s0], s1  }
0x21d: {  	s0 =	simm.s32 @!p0 $0x8  }
0x21e: {  	_ =	swait.ge @!p0 [sflag:s0], s1  }
0x21f: {  	s1 =	ssub.s32 @!p0 $0x0, s1;
	[sflag:s0] =	ssyncset.done @!p0 $0x0  }
0x220: {  	[sflag:s0] =	ssyncadd.s32 @!p0 s1  }
0x221: {  	[bflag:$0x3] =	sbarrier.arrive $0xFFFF  }
0x222: {  	_ =	shalt  }

</sc_bundles>
